<compile_context>
chip_gen: v7x
topology: tpu7x:2x2x1
jax: 0.10.2.dev20260603
libtpu: 0.0.44.dev20260713+nightly
codegen_flags: <defaults>
</compile_context>

<pallas_src>
import functools

import jax
import jax.numpy as jnp
from jax import lax
from jax.experimental import pallas as pl
from jax.experimental.pallas import tpu as pltpu
from jax.experimental.pallas import tpu_sc as plsc

K = 16
N = 16
P = 2048
C = 64
EDGES = N * P * K
RT = 256
IMAX = 2147483647


def _knn_kernel(pts_r_ref, ptsT_ref, out_ref):
    n = pl.program_id(0)
    pr = pts_r_ref[0]
    pcT = ptsT_ref[0]
    rr = jnp.sum(pr * pr, axis=1, keepdims=True)
    rc = jnp.sum(pcT * pcT, axis=0, keepdims=True)
    dot = jnp.dot(pr.astype(jnp.bfloat16), pcT.astype(jnp.bfloat16),
                  preferred_element_type=jnp.float32)
    dist = rr - 2.0 * dot + rc
    col = lax.broadcasted_iota(jnp.int32, (RT, P), 1)
    bits = lax.bitcast_convert_type(dist, jnp.int32)
    okey = jnp.where(bits >= 0, bits, jnp.bitwise_xor(bits, jnp.int32(0x7FFFFFFF)))
    keys0 = jnp.bitwise_or(jnp.bitwise_and(okey, jnp.int32(-2048)), col)

    def body(k, carry):
        gprev, acc = carry
        m = None
        for j in range(16):
            kj = keys0[:, j * 128:(j + 1) * 128]
            t = jnp.where(kj > gprev, kj, IMAX)
            m = t if m is None else jnp.minimum(m, t)
        g = jnp.min(m, axis=1, keepdims=True)
        lane = lax.broadcasted_iota(jnp.int32, (RT, K + 1), 1)
        acc = jnp.where(lane == k, jnp.bitwise_and(g, jnp.int32(2047)), acc)
        return g, acc

    _, acc = lax.fori_loop(0, K + 1, body,
                           (jnp.full((RT, 1), -2147483648, jnp.int32),
                            jnp.zeros((RT, K + 1), jnp.int32)))
    out_ref[0] = acc[:, 1:] + n * P


def _knn(pts):
    ptsT = jnp.transpose(pts, (0, 2, 1))
    return pl.pallas_call(
        _knn_kernel,
        grid=(N, P // RT),
        in_specs=[
            pl.BlockSpec((1, RT, 2), lambda n, r: (n, r, 0)),
            pl.BlockSpec((1, 2, P), lambda n, r: (n, 0, 0)),
        ],
        out_specs=pl.BlockSpec((1, RT, K), lambda n, r: (n, r, 0)),
        out_shape=jax.ShapeDtypeStruct((N, P, K), jnp.int32),
    )(pts, ptsT)


NW = 32
CH = 1024
EPW = EDGES // NW


def _sc_gather(table, idx):
    mesh = plsc.VectorSubcoreMesh(core_axis_name="c", subcore_axis_name="s")

    @functools.partial(
        pl.kernel, mesh=mesh,
        out_type=jax.ShapeDtypeStruct((EDGES, C), jnp.float32),
        compiler_params=pltpu.CompilerParams(use_tc_tiling_on_sc=False),
        scratch_types=[
            pltpu.VMEM((CH,), jnp.int32),
            pltpu.VMEM((CH, C), jnp.float32),
            pltpu.SemaphoreType.DMA,
        ],
    )
    def k(table_hbm, idx_hbm, out_hbm, idx_v, rows_v, sem):
        wid = lax.axis_index("s") * 2 + lax.axis_index("c")
        base = wid * EPW

        def body(j, carry):
            off = base + j * CH
            pltpu.sync_copy(idx_hbm.at[pl.ds(off, CH)], idx_v)
            pltpu.async_copy(table_hbm.at[idx_v], rows_v, sem).wait()
            pltpu.sync_copy(rows_v, out_hbm.at[pl.ds(off, CH)])
            return carry

        lax.fori_loop(0, EPW // CH, body, 0)

    return k(table, idx)


def _proj_kernel(x_ref, w_ref, b_ref, u_ref, v_ref, y_ref):
    y = jnp.dot(x_ref[...].astype(jnp.bfloat16), w_ref[...].astype(jnp.bfloat16),
                preferred_element_type=jnp.float32) + b_ref[...]
    u_ref[...] = y[:, 0:64]
    v_ref[...] = y[:, 64:128]
    y_ref[...] = y[:, 128:192]


def _proj(x, wcat, bcat, rows_per_block):
    rows = x.shape[0]
    grid = rows // rows_per_block
    return pl.pallas_call(
        _proj_kernel,
        grid=(grid,),
        in_specs=[
            pl.BlockSpec((rows_per_block, 64), lambda i: (i, 0)),
            pl.BlockSpec((64, 192), lambda i: (0, 0)),
            pl.BlockSpec((1, 192), lambda i: (0, 0)),
        ],
        out_specs=[
            pl.BlockSpec((rows_per_block, 64), lambda i: (i, 0)),
            pl.BlockSpec((rows_per_block, 64), lambda i: (i, 0)),
            pl.BlockSpec((rows_per_block, 64), lambda i: (i, 0)),
        ],
        out_shape=[
            jax.ShapeDtypeStruct((rows, 64), jnp.float32),
            jax.ShapeDtypeStruct((rows, 64), jnp.float32),
            jax.ShapeDtypeStruct((rows, 64), jnp.float32),
        ],
    )(x, wcat, bcat)


def _vb(v_ref, rows):
    v = v_ref[...]
    return jnp.broadcast_to(v[:, None, :], (rows // K, K, 64)).reshape(rows, 64)


def _acc2(i, s_ref, ss_ref, s, ss):
    @pl.when(i == 0)
    def _():
        s_ref[...] = s
        ss_ref[...] = ss

    @pl.when(i > 0)
    def _():
        s_ref[...] += s
        ss_ref[...] += ss


def _stats_kernel(g_ref, v_ref, s_ref, ss_ref):
    x = _vb(v_ref, g_ref.shape[0]) - g_ref[...]
    _acc2(pl.program_id(0), s_ref, ss_ref,
          jnp.sum(x, axis=0, keepdims=True),
          jnp.sum(x * x, axis=0, keepdims=True))


def _stats(g, v, rows_per_block):
    rows = g.shape[0]
    grid = rows // rows_per_block
    s, ss = pl.pallas_call(
        _stats_kernel,
        grid=(grid,),
        in_specs=[
            pl.BlockSpec((rows_per_block, 64), lambda i: (i, 0)),
            pl.BlockSpec((rows_per_block // K, 64), lambda i: (i, 0)),
        ],
        out_specs=[
            pl.BlockSpec((1, 64), lambda i: (0, 0)),
            pl.BlockSpec((1, 64), lambda i: (0, 0)),
        ],
        out_shape=[
            jax.ShapeDtypeStruct((1, 64), jnp.float32),
            jax.ShapeDtypeStruct((1, 64), jnp.float32),
        ],
    )(g, v)
    return s[0], ss[0]


def _sc_stats_kernel(x_ref, s_ref, ss_ref):
    x = x_ref[...]
    _acc2(pl.program_id(0), s_ref, ss_ref,
          jnp.sum(x, axis=0, keepdims=True),
          jnp.sum(x * x, axis=0, keepdims=True))


def _sc_stats(x, rows_per_block):
    rows = x.shape[0]
    grid = rows // rows_per_block
    s, ss = pl.pallas_call(
        _sc_stats_kernel,
        grid=(grid,),
        in_specs=[pl.BlockSpec((rows_per_block, 64), lambda i: (i, 0))],
        out_specs=[
            pl.BlockSpec((1, 64), lambda i: (0, 0)),
            pl.BlockSpec((1, 64), lambda i: (0, 0)),
        ],
        out_shape=[
            jax.ShapeDtypeStruct((1, 64), jnp.float32),
            jax.ShapeDtypeStruct((1, 64), jnp.float32),
        ],
    )(x)
    return s[0], ss[0]


def _mid_kernel(g_ref, v_ref, a0_ref, c0_ref, w1_ref, s_ref, ss_ref):
    y0 = _vb(v_ref, g_ref.shape[0]) - g_ref[...]
    e0 = jnp.maximum(y0 * a0_ref[...] + c0_ref[...], 0.0)
    y1 = jnp.dot(e0, w1_ref[...], preferred_element_type=jnp.float32)
    _acc2(pl.program_id(0), s_ref, ss_ref,
          jnp.sum(y1, axis=0, keepdims=True),
          jnp.sum(y1 * y1, axis=0, keepdims=True))


def _mid(g, v, a0, c0, w1t, rows_per_block):
    rows = g.shape[0]
    grid = rows // rows_per_block
    s, ss = pl.pallas_call(
        _mid_kernel,
        grid=(grid,),
        in_specs=[
            pl.BlockSpec((rows_per_block, 64), lambda i: (i, 0)),
            pl.BlockSpec((rows_per_block // K, 64), lambda i: (i, 0)),
            pl.BlockSpec((1, 64), lambda i: (0, 0)),
            pl.BlockSpec((1, 64), lambda i: (0, 0)),
            pl.BlockSpec((64, 64), lambda i: (0, 0)),
        ],
        out_specs=[
            pl.BlockSpec((1, 64), lambda i: (0, 0)),
            pl.BlockSpec((1, 64), lambda i: (0, 0)),
        ],
        out_shape=[
            jax.ShapeDtypeStruct((1, 64), jnp.float32),
            jax.ShapeDtypeStruct((1, 64), jnp.float32),
        ],
    )(g, v, a0[None, :], c0[None, :], w1t)
    return s[0], ss[0]


def _final_kernel(g_ref, v_ref, a0_ref, c0_ref, w1_ref, a1_ref, c1_ref,
                  sc_ref, out_ref):
    rows = g_ref.shape[0]
    y0 = _vb(v_ref, rows) - g_ref[...]
    e0 = jnp.maximum(y0 * a0_ref[...] + c0_ref[...], 0.0)
    y1 = jnp.dot(e0, w1_ref[...], preferred_element_type=jnp.float32)
    e1 = jnp.maximum(y1 * a1_ref[...] + c1_ref[...], 0.0)
    h = jnp.mean(e1.reshape(rows // K, K, 64), axis=1)
    out_ref[...] = jnp.maximum(h + sc_ref[...], 0.0)


def _final(g, v, a0, c0, w1t, a1, c1, sc, rows_per_block):
    rows = g.shape[0]
    grid = rows // rows_per_block
    out = pl.pallas_call(
        _final_kernel,
        grid=(grid,),
        in_specs=[
            pl.BlockSpec((rows_per_block, 64), lambda i: (i, 0)),
            pl.BlockSpec((rows_per_block // K, 64), lambda i: (i, 0)),
            pl.BlockSpec((1, 64), lambda i: (0, 0)),
            pl.BlockSpec((1, 64), lambda i: (0, 0)),
            pl.BlockSpec((64, 64), lambda i: (0, 0)),
            pl.BlockSpec((1, 64), lambda i: (0, 0)),
            pl.BlockSpec((1, 64), lambda i: (0, 0)),
            pl.BlockSpec((rows_per_block // K, 64), lambda i: (i, 0)),
        ],
        out_specs=pl.BlockSpec((rows_per_block // K, 64), lambda i: (i, 0)),
        out_shape=jax.ShapeDtypeStruct((rows // K, 64), jnp.float32),
    )(g, v, a0[None, :], c0[None, :], w1t, a1[None, :], c1[None, :], sc)
    return out


def _bn_coeffs(s, ss, count, g, be):
    m = s / count
    v = ss / count - m * m
    a = g * lax.rsqrt(v + 1e-5)
    c = be - m * a
    return a, c


def kernel(features, W0, b0, g0, be0, W1, b1, g1, be1, Ws, bs, gs, bes):
    pts = features[:, :, 0:2]
    X = features[:, :, 2:]

    gidx = _knn(pts).reshape(EDGES)

    W0a = W0[:, :C]
    W0b = W0[:, C:]
    wcat = jnp.concatenate([W0b.T, (W0a + W0b).T, Ws.T], axis=1)
    bcat = jnp.concatenate([jnp.zeros((C,), jnp.float32), b0, bs])[None, :]
    U, Vf, ysc = _proj(X.reshape(N * P, C), wcat, bcat, 4096)

    G = _sc_gather(U, gidx)

    s0, ss0 = _stats(G, Vf, 8192)
    a0, c0 = _bn_coeffs(s0, ss0, float(EDGES), g0, be0)
    s1, ss1 = _mid(G, Vf, a0, c0, W1.T, 8192)
    a1, c1 = _bn_coeffs(s1, ss1, float(EDGES), g1, be1)

    ssc, sssc = _sc_stats(ysc, 4096)
    asc, csc = _bn_coeffs(ssc, sssc, float(N * P), gs, bes)
    sc = ysc * asc[None, :] + csc[None, :]

    out = _final(G, Vf, a0, c0, W1.T, a1, c1, sc, 8192)
    return jnp.transpose(out.reshape(N, P, C), (0, 2, 1))

# --- scband reference (transcript-rebuilt; emitter-appended) ---
"""Pipeline reference for scband-edge-conv-32890859553324 (READ-ONLY COPY).

The authoritative reference and input builder live on the scoring server;
editing this copy changes nothing except your own understanding.
"""

import jax, jax.numpy as jnp
import numpy as np

K = 16


def _bn(x, g, b):
    m = jnp.mean(x, axis=(0, 2, 3), keepdims=True)
    v = jnp.mean((x - m) ** 2, axis=(0, 2, 3), keepdims=True)
    xh = (x - m) / jnp.sqrt(v + 1e-5)
    return xh * g[None, :, None, None] + b[None, :, None, None]


def _conv1x1(x, W, b):
    return jnp.einsum('ncpk,oc->nopk', x, W) + b[None, :, None, None]


def setup_inputs(seed: int = 0):
    key = jax.random.key(seed)
    ks = jax.random.split(key, 8)
    inp = {}
    inp['features'] = jax.random.normal(ks[0], (16, 2048, 66), dtype=jnp.float32)
    inp['W0'] = jax.random.normal(ks[1], (64, 128), dtype=jnp.float32) * 0.05
    inp['b0'] = jnp.zeros((64,), dtype=jnp.float32)
    inp['g0'] = jnp.ones((64,), dtype=jnp.float32)
    inp['be0'] = jnp.zeros((64,), dtype=jnp.float32)
    inp['W1'] = jax.random.normal(ks[2], (64, 64), dtype=jnp.float32) * 0.05
    inp['b1'] = jnp.zeros((64,), dtype=jnp.float32)
    inp['g1'] = jnp.ones((64,), dtype=jnp.float32)
    inp['be1'] = jnp.zeros((64,), dtype=jnp.float32)
    inp['Ws'] = jax.random.normal(ks[3], (64, 64), dtype=jnp.float32) * 0.05
    inp['bs'] = jnp.zeros((64,), dtype=jnp.float32)
    inp['gs'] = jnp.ones((64,), dtype=jnp.float32)
    inp['bes'] = jnp.zeros((64,), dtype=jnp.float32)
    return inp


def reference(features, W0, b0, g0, be0, W1, b1, g1, be1, Ws, bs, gs, bes):
    # index == 0: first 2 channels are point coordinates, rest are features
    pts = features[:, :, 0:2]
    X = features[:, :, 2:]
    # point_distance_matrix + knn
    rA = jnp.sum(pts * pts, axis=2, keepdims=True)
    dist = rA - 2.0 * jnp.matmul(pts, jnp.transpose(pts, (0, 2, 1))) + jnp.transpose(rA, (0, 2, 1))
    _, idx = jax.lax.top_k(-dist, K + 1)
    idx = idx[:, :, 1:]  # (N, P, K), drop self
    N, P, C = X.shape
    # gather_nd: per-batch gather of neighbor features
    f = jnp.take_along_axis(X, idx.reshape(N, P * K)[:, :, None], axis=1).reshape(N, P, K, C)
    fc = jnp.broadcast_to(X[:, :, None, :], (N, P, K, C))
    ff = jnp.concatenate([fc, fc - f], axis=-1)  # (N, P, K, 2C)
    h = jnp.transpose(ff, (0, 3, 1, 2))  # (N, 2C, P, K)
    # conv stack: [Conv2d 1x1 -> BN -> ReLU] x 2
    h = jax.nn.relu(_bn(_conv1x1(h, W0, b0), g0, be0))
    h = jax.nn.relu(_bn(_conv1x1(h, W1, b1), g1, be1))
    h = jnp.mean(h, axis=3)  # (N, C_out, P)
    # shortcut branch
    sc = jnp.transpose(X, (0, 2, 1))[:, :, :, None]  # (N, C, P, 1)
    sc = _bn(_conv1x1(sc, Ws, bs), gs, bes)[:, :, :, 0]
    return jax.nn.relu(h + sc)

if __name__ == "__main__":
    import jax
    _d = setup_inputs()
    print(jax.jit(kernel)(*tuple(_d.values())))

</pallas_src>

<mosaic_0001>
#map = affine_map<(d0, d1) -> (0, 0)>
#map1 = affine_map<(d0, d1) -> (0)>
module attributes {stable_mosaic.version = 14 : i64} {
  func.func @k(%arg0: i32, %arg1: i32, %arg2: memref<32768x64xf32, #tpu.memory_space<hbm>>, %arg3: memref<524288xi32, #tpu.memory_space<hbm>>, %arg4: memref<524288x64xf32, #tpu.memory_space<hbm>>, %arg5: memref<1024xi32, #tpu.memory_space<vmem>>, %arg6: memref<1024x64xf32, #tpu.memory_space<vmem>>, %arg7: memref<!tpu.dma_semaphore, #tpu.memory_space<semaphore_mem>>) attributes {dimension_semantics = [#tpu.dimension_semantics<core_parallel>, #tpu.dimension_semantics<subcore_parallel>], iteration_bounds = array<i64: 2, 16>, scalar_prefetch = 0 : i64, scratch_operands = 3 : i64, tpu.core_type = #tpu.core_type<sc_vector_subcore>, window_params = [{transform_indices = #map}, {transform_indices = #map1}, {transform_indices = #map}]} {
    %mul3A = arith.constant 2 : i32
    %mul3A_0 = arith.muli %arg1, %mul3A : i32
    %add3A = arith.addi %mul3A_0, %arg0 : i32
    %mul3A_1 = arith.constant 16384 : i32
    %mul3A_2 = arith.muli %add3A, %mul3A_1 : i32
    %scan3A = arith.constant 0 : i32
    %scan3A_3 = arith.constant 0 : i32
    %scan3A_4 = arith.constant 16 : i32
    %scan3A_5 = arith.addi %scan3A_3, %scan3A_4 : i32
    %scan3A_6 = arith.constant 1 : i32
    scf.for %scan3A_8 = %scan3A_3 to %scan3A_5 step %scan3A_6  : i32 {
      %mul3A_9 = arith.constant 1024 : i32
      %mul3A_10 = arith.muli %scan3A_8, %mul3A_9 : i32
      %add3A_11 = arith.addi %mul3A_2, %mul3A_10 : i32
      "tpu.region"() ({
        %run_scoped3A = tpu.sem_alloc : memref<!tpu.dma_semaphore, #tpu.memory_space<semaphore_mem>>
        %dma_start3A_16 = tpu.memref_slice %arg3[%add3A_11] : memref<524288xi32, #tpu.memory_space<hbm>> -> memref<1024xi32, #tpu.memory_space<hbm>>
        %dma_start3A_17 = tpu.memref_slice %arg3[%add3A_11] : memref<524288xi32, #tpu.memory_space<hbm>> -> memref<1024xi32, #tpu.memory_space<hbm>>
        tpu.enqueue_dma source(%dma_start3A_17 : memref<1024xi32, #tpu.memory_space<hbm>>) target(%arg5 : memref<1024xi32, #tpu.memory_space<vmem>>) target_semaphore(%run_scoped3A : memref<!tpu.dma_semaphore, #tpu.memory_space<semaphore_mem>>)
        %dma_wait3A_18 = tpu.memref_slice %arg3[%add3A_11] : memref<524288xi32, #tpu.memory_space<hbm>> -> memref<1024xi32, #tpu.memory_space<hbm>>
        %dma_wait3A_19 = tpu.memref_slice %arg3[%add3A_11] : memref<524288xi32, #tpu.memory_space<hbm>> -> memref<1024xi32, #tpu.memory_space<hbm>>
        tpu.wait_dma2 semaphore(%run_scoped3A : memref<!tpu.dma_semaphore, #tpu.memory_space<semaphore_mem>>) src(%dma_wait3A_19 : memref<1024xi32, #tpu.memory_space<hbm>>) dst(%arg5 : memref<1024xi32, #tpu.memory_space<vmem>>)
        tpu.yield
      }) : () -> ()
      %dma_start3A = arith.constant 0 : i32
      %dma_start3A_12 = arith.constant 0 : i32
      %dma_start3A_13 = tpu.memref_slice %arg2[%dma_start3A, %dma_start3A_12] : memref<32768x64xf32, #tpu.memory_space<hbm>> -> memref<32768x64xf32, #tpu.memory_space<hbm>>
      tpu.enqueue_indirect_dma source(%dma_start3A_13 : memref<32768x64xf32, #tpu.memory_space<hbm>>) target(%arg6 : memref<1024x64xf32, #tpu.memory_space<vmem>>) offsets(%arg5 : memref<1024xi32, #tpu.memory_space<vmem>>) semaphore(%arg7 : memref<!tpu.dma_semaphore, #tpu.memory_space<semaphore_mem>>)
      %dma_wait3A = arith.constant 0 : i32
      %dma_wait3A_14 = arith.constant 0 : i32
      %dma_wait3A_15 = tpu.memref_slice %arg2[%dma_wait3A, %dma_wait3A_14] : memref<32768x64xf32, #tpu.memory_space<hbm>> -> memref<32768x64xf32, #tpu.memory_space<hbm>>
      tpu.wait_indirect_dma semaphore(%arg7 : memref<!tpu.dma_semaphore, #tpu.memory_space<semaphore_mem>>) src(%dma_wait3A_15 : memref<32768x64xf32, #tpu.memory_space<hbm>>) dst(%arg6 : memref<1024x64xf32, #tpu.memory_space<vmem>>)
      "tpu.region"() ({
        %run_scoped3A = tpu.sem_alloc : memref<!tpu.dma_semaphore, #tpu.memory_space<semaphore_mem>>
        %dma_start3A_16 = arith.constant 0 : i32
        %dma_start3A_17 = tpu.memref_slice %arg4[%add3A_11, %dma_start3A_16] : memref<524288x64xf32, #tpu.memory_space<hbm>> -> memref<1024x64xf32, #tpu.memory_space<hbm>>
        %dma_start3A_18 = arith.constant 0 : i32
        %dma_start3A_19 = tpu.memref_slice %arg4[%add3A_11, %dma_start3A_18] : memref<524288x64xf32, #tpu.memory_space<hbm>> -> memref<1024x64xf32, #tpu.memory_space<hbm>>
        tpu.enqueue_dma source(%arg6 : memref<1024x64xf32, #tpu.memory_space<vmem>>) target(%dma_start3A_19 : memref<1024x64xf32, #tpu.memory_space<hbm>>) target_semaphore(%run_scoped3A : memref<!tpu.dma_semaphore, #tpu.memory_space<semaphore_mem>>)
        %dma_wait3A_20 = arith.constant 0 : i32
        %dma_wait3A_21 = tpu.memref_slice %arg4[%add3A_11, %dma_wait3A_20] : memref<524288x64xf32, #tpu.memory_space<hbm>> -> memref<1024x64xf32, #tpu.memory_space<hbm>>
        %dma_wait3A_22 = arith.constant 0 : i32
        %dma_wait3A_23 = tpu.memref_slice %arg4[%add3A_11, %dma_wait3A_22] : memref<524288x64xf32, #tpu.memory_space<hbm>> -> memref<1024x64xf32, #tpu.memory_space<hbm>>
        tpu.wait_dma2 semaphore(%run_scoped3A : memref<!tpu.dma_semaphore, #tpu.memory_space<semaphore_mem>>) src(%arg6 : memref<1024x64xf32, #tpu.memory_space<vmem>>) dst(%dma_wait3A_23 : memref<1024x64xf32, #tpu.memory_space<hbm>>)
        tpu.yield
      }) : () -> ()
    }
    %scan3A_7 = arith.constant 16 : i32
    return
  }
}

module attributes {stable_mosaic.version = 14 : i64} {
  func.func @_proj_kernel(%arg0: i32, %arg1: memref<4096x64xf32, #tpu.memory_space<vmem>>, %arg2: memref<64x192xf32, #tpu.memory_space<vmem>>, %arg3: memref<1x192xf32, #tpu.memory_space<vmem>>, %arg4: memref<4096x64xf32, #tpu.memory_space<vmem>>, %arg5: memref<4096x64xf32, #tpu.memory_space<vmem>>, %arg6: memref<4096x64xf32, #tpu.memory_space<vmem>>) attributes {dimension_semantics = [#tpu.dimension_semantics<arbitrary>], iteration_bounds = array<i64: 8>, scalar_prefetch = 0 : i64, scratch_operands = 0 : i64, tpu.core_type = #tpu.core_type<tc>, window_params = [{transform_indices = @transform_0, window_bounds = array<i64: 4096, 64>}, {pipeline_mode = #tpu.pipeline_mode<synchronous>, transform_indices = @transform_1, window_bounds = array<i64: 64, 192>}, {pipeline_mode = #tpu.pipeline_mode<synchronous>, transform_indices = @transform_2, window_bounds = array<i64: 1, 192>}, {transform_indices = @transform_3, window_bounds = array<i64: 4096, 64>}, {transform_indices = @transform_4, window_bounds = array<i64: 4096, 64>}, {transform_indices = @transform_5, window_bounds = array<i64: 4096, 64>}]} {
    %get3A = arith.constant 0 : index
    %get3A_0 = arith.constant 0 : index
    %get3A_1 = vector.load %arg1[%get3A, %get3A_0] : memref<4096x64xf32, #tpu.memory_space<vmem>>, vector<4096x64xf32>
    %convert_element_type3A = arith.truncf %get3A_1 : vector<4096x64xf32> to vector<4096x64xbf16>
    %get3A_2 = arith.constant 0 : index
    %get3A_3 = arith.constant 0 : index
    %get3A_4 = vector.load %arg2[%get3A_2, %get3A_3] : memref<64x192xf32, #tpu.memory_space<vmem>>, vector<64x192xf32>
    %convert_element_type3A_5 = arith.truncf %get3A_4 : vector<64x192xf32> to vector<64x192xbf16>
    %dot_general3A = arith.constant dense<0.000000e+00> : vector<4096x192xf32>
    %dot_general3A_6 = tpu.matmul %convert_element_type3A, %convert_element_type3A_5, %dot_general3A {dimension_numbers = #tpu.dot_dimension_numbers<[1], [0], [0], [1], [0, 0, 1, 1], [], []>, transpose_lhs_hint = false} : vector<4096x64xbf16>, vector<64x192xbf16>, vector<4096x192xf32> -> vector<4096x192xf32>
    %get3A_7 = arith.constant 0 : index
    %get3A_8 = arith.constant 0 : index
    %get3A_9 = vector.load %arg3[%get3A_7, %get3A_8] : memref<1x192xf32, #tpu.memory_space<vmem>>, vector<1x192xf32>
    %add3A = vector.broadcast %get3A_9 : vector<1x192xf32> to vector<4096x192xf32>
    %add3A_10 = arith.addf %dot_general3A_6, %add3A : vector<4096x192xf32>
    %slice3A = vector.extract_strided_slice %add3A_10 {offsets = [0, 0], sizes = [4096, 64], strides = [1, 1]} : vector<4096x192xf32> to vector<4096x64xf32>
    %swap3A = arith.constant 0 : index
    %swap3A_11 = arith.constant 0 : index
    %swap3A_12 = vector.load %arg4[%swap3A, %swap3A_11] : memref<4096x64xf32, #tpu.memory_space<vmem>>, vector<4096x64xf32>
    tpu.vector_store %arg4[%swap3A, %swap3A_11], %slice3A {strides = array<i32>} : memref<4096x64xf32, #tpu.memory_space<vmem>>, vector<4096x64xf32>,
    %slice3A_13 = vector.extract_strided_slice %add3A_10 {offsets = [0, 64], sizes = [4096, 64], strides = [1, 1]} : vector<4096x192xf32> to vector<4096x64xf32>
    %swap3A_14 = arith.constant 0 : index
    %swap3A_15 = arith.constant 0 : index
    %swap3A_16 = vector.load %arg5[%swap3A_14, %swap3A_15] : memref<4096x64xf32, #tpu.memory_space<vmem>>, vector<4096x64xf32>
    tpu.vector_store %arg5[%swap3A_14, %swap3A_15], %slice3A_13 {strides = array<i32>} : memref<4096x64xf32, #tpu.memory_space<vmem>>, vector<4096x64xf32>,
    %slice3A_17 = vector.extract_strided_slice %add3A_10 {offsets = [0, 128], sizes = [4096, 64], strides = [1, 1]} : vector<4096x192xf32> to vector<4096x64xf32>
    %swap3A_18 = arith.constant 0 : index
    %swap3A_19 = arith.constant 0 : index
    %swap3A_20 = vector.load %arg6[%swap3A_18, %swap3A_19] : memref<4096x64xf32, #tpu.memory_space<vmem>>, vector<4096x64xf32>
    tpu.vector_store %arg6[%swap3A_18, %swap3A_19], %slice3A_17 {strides = array<i32>} : memref<4096x64xf32, #tpu.memory_space<vmem>>, vector<4096x64xf32>,
    return
  }
  func.func @transform_0(%arg0: i32) -> (i32, i32) {
    %c0_i32 = arith.constant 0 : i32
    %c0_i32_0 = arith.constant 0 : i32
    return %arg0, %c0_i32 : i32, i32
  }
  func.func @transform_1(%arg0: i32) -> (i32, i32) {
    %c0_i32 = arith.constant 0 : i32
    %c0_i32_0 = arith.constant 0 : i32
    %c0_i32_1 = arith.constant 0 : i32
    return %c0_i32, %c0_i32_0 : i32, i32
  }
  func.func @transform_2(%arg0: i32) -> (i32, i32) {
    %c0_i32 = arith.constant 0 : i32
    %c0_i32_0 = arith.constant 0 : i32
    %c0_i32_1 = arith.constant 0 : i32
    return %c0_i32, %c0_i32_0 : i32, i32
  }
  func.func @transform_3(%arg0: i32) -> (i32, i32) {
    %c0_i32 = arith.constant 0 : i32
    %c0_i32_0 = arith.constant 0 : i32
    return %arg0, %c0_i32 : i32, i32
  }
  func.func @transform_4(%arg0: i32) -> (i32, i32) {
    %c0_i32 = arith.constant 0 : i32
    %c0_i32_0 = arith.constant 0 : i32
    return %arg0, %c0_i32 : i32, i32
  }
  func.func @transform_5(%arg0: i32) -> (i32, i32) {
    %c0_i32 = arith.constant 0 : i32
    %c0_i32_0 = arith.constant 0 : i32
    return %arg0, %c0_i32 : i32, i32
  }
}

module attributes {stable_mosaic.version = 14 : i64} {
  func.func @_knn_kernel(%arg0: i32, %arg1: i32, %arg2: memref<1x256x2xf32, #tpu.memory_space<vmem>>, %arg3: memref<1x2x2048xf32, #tpu.memory_space<vmem>>, %arg4: memref<1x256x16xi32, #tpu.memory_space<vmem>>) attributes {dimension_semantics = [#tpu.dimension_semantics<arbitrary>, #tpu.dimension_semantics<arbitrary>], iteration_bounds = array<i64: 16, 8>, scalar_prefetch = 0 : i64, scratch_operands = 0 : i64, tpu.core_type = #tpu.core_type<tc>, window_params = [{transform_indices = @transform_0, window_bounds = array<i64: 1, 256, 2>}, {transform_indices = @transform_1, window_bounds = array<i64: 1, 2, 2048>}, {transform_indices = @transform_2, window_bounds = array<i64: 1, 256, 16>}]} {
    %get3A = arith.constant 0 : index
    %get3A_0 = arith.constant 0 : index
    %get3A_1 = arith.constant 0 : index
    %get3A_2 = vector.load %arg2[%get3A, %get3A_0, %get3A_1] : memref<1x256x2xf32, #tpu.memory_space<vmem>>, vector<1x256x2xf32>
    %get3A_3 = vector.shape_cast %get3A_2 : vector<1x256x2xf32> to vector<256x2xf32>
    %get3A_4 = arith.constant 0 : index
    %get3A_5 = arith.constant 0 : index
    %get3A_6 = arith.constant 0 : index
    %get3A_7 = vector.load %arg3[%get3A_4, %get3A_5, %get3A_6] : memref<1x2x2048xf32, #tpu.memory_space<vmem>>, vector<1x2x2048xf32>
    %get3A_8 = vector.shape_cast %get3A_7 : vector<1x2x2048xf32> to vector<2x2048xf32>
    %mul3A = arith.mulf %get3A_3, %get3A_3 : vector<256x2xf32>
    %reduce_sum3A = arith.constant dense<0.000000e+00> : vector<256xf32>
    %reduce_sum3A_9 = vector.multi_reduction <add>, %mul3A, %reduce_sum3A [1] : vector<256x2xf32> to vector<256xf32>
    %broadcast_in_dim3A = vector.shape_cast %reduce_sum3A_9 : vector<256xf32> to vector<256x1xf32>
    %mul3A_10 = arith.mulf %get3A_8, %get3A_8 : vector<2x2048xf32>
    %reduce_sum3A_11 = arith.constant dense<0.000000e+00> : vector<2048xf32>
    %reduce_sum3A_12 = vector.multi_reduction <add>, %mul3A_10, %reduce_sum3A_11 [0] : vector<2x2048xf32> to vector<2048xf32>
    %broadcast_in_dim3A_13 = vector.shape_cast %reduce_sum3A_12 : vector<2048xf32> to vector<1x2048xf32>
    %convert_element_type3A = arith.truncf %get3A_3 : vector<256x2xf32> to vector<256x2xbf16>
    %convert_element_type3A_14 = arith.truncf %get3A_8 : vector<2x2048xf32> to vector<2x2048xbf16>
    %dot_general3A = arith.constant dense<0.000000e+00> : vector<256x2048xf32>
    %dot_general3A_15 = tpu.matmul %convert_element_type3A, %convert_element_type3A_14, %dot_general3A {dimension_numbers = #tpu.dot_dimension_numbers<[1], [0], [0], [1], [0, 0, 1, 1], [], []>, transpose_lhs_hint = false} : vector<256x2xbf16>, vector<2x2048xbf16>, vector<256x2048xf32> -> vector<256x2048xf32>
    %mul3A_16 = arith.constant 2.000000e+00 : f32
    %mul3A_17 = vector.broadcast %mul3A_16 : f32 to vector<256x2048xf32>
    %mul3A_18 = arith.mulf %mul3A_17, %dot_general3A_15 : vector<256x2048xf32>
    %sub3A = vector.broadcast %broadcast_in_dim3A : vector<256x1xf32> to vector<256x2048xf32>
    %sub3A_19 = arith.subf %sub3A, %mul3A_18 : vector<256x2048xf32>
    %add3A = vector.broadcast %broadcast_in_dim3A_13 : vector<1x2048xf32> to vector<256x2048xf32>
    %add3A_20 = arith.addf %sub3A_19, %add3A : vector<256x2048xf32>
    %iota3A = tpu.iota {dimensions = array<i32: 1>} : vector<256x2048xi32>
    %bitcast_convert_type3A = tpu.bitcast %add3A_20 : vector<256x2048xf32> -> vector<256x2048xi32>
    %ge3A = arith.constant 0 : i32
    %ge3A_21 = vector.broadcast %ge3A : i32 to vector<256x2048xi32>
    %ge3A_22 = arith.cmpi sge, %bitcast_convert_type3A, %ge3A_21 : vector<256x2048xi32>
    %xor3A = arith.constant 2147483647 : i32
    %xor3A_23 = vector.broadcast %xor3A : i32 to vector<256x2048xi32>
    %xor3A_24 = arith.xori %bitcast_convert_type3A, %xor3A_23 : vector<256x2048xi32>
    %select_n3A = arith.select %ge3A_22, %bitcast_convert_type3A, %xor3A_24 : vector<256x2048xi1>, vector<256x2048xi32>
    %and3A = arith.constant -2048 : i32
    %and3A_25 = vector.broadcast %and3A : i32 to vector<256x2048xi32>
    %and3A_26 = arith.andi %select_n3A, %and3A_25 : vector<256x2048xi32>
    %or3A = arith.ori %and3A_26, %iota3A : vector<256x2048xi32>
    %broadcast_in_dim3A_27 = arith.constant -2147483648 : i32
    %broadcast_in_dim3A_28 = vector.broadcast %broadcast_in_dim3A_27 : i32 to vector<256x1xi32>
    %broadcast_in_dim3A_29 = arith.constant 0 : i32
    %broadcast_in_dim3A_30 = vector.broadcast %broadcast_in_dim3A_29 : i32 to vector<256x17xi32>
    %scan3A = arith.constant 0 : i32
    %scan3A_31 = arith.constant 17 : i32
    %scan3A_32 = arith.addi %scan3A, %scan3A_31 : i32
    %scan3A_33 = arith.constant 1 : i32
    %scan3A_34:2 = scf.for %scan3A_45 = %scan3A to %scan3A_32 step %scan3A_33 iter_args(%scan3A_46 = %broadcast_in_dim3A_28, %scan3A_47 = %broadcast_in_dim3A_30) -> (vector<256x1xi32>, vector<256x17xi32>)  : i32 {
      %slice3A_48 = vector.extract_strided_slice %or3A {offsets = [0, 0], sizes = [256, 128], strides = [1, 1]} : vector<256x2048xi32> to vector<256x128xi32>
      %gt3A = vector.broadcast %scan3A_46 : vector<256x1xi32> to vector<256x128xi32>
      %gt3A_49 = arith.cmpi sgt, %slice3A_48, %gt3A : vector<256x128xi32>
      %jit3A = arith.constant 2147483647 : i32
      %broadcast_in_dim3A_50 = vector.broadcast %jit3A : i32 to vector<256x128xi32>
      %select_n3A_51 = arith.select %gt3A_49, %slice3A_48, %broadcast_in_dim3A_50 : vector<256x128xi1>, vector<256x128xi32>
      %slice3A_52 = vector.extract_strided_slice %or3A {offsets = [0, 128], sizes = [256, 128], strides = [1, 1]} : vector<256x2048xi32> to vector<256x128xi32>
      %gt3A_53 = vector.broadcast %scan3A_46 : vector<256x1xi32> to vector<256x128xi32>
      %gt3A_54 = arith.cmpi sgt, %slice3A_52, %gt3A_53 : vector<256x128xi32>
      %jit3A_55 = arith.constant 2147483647 : i32
      %broadcast_in_dim3A_56 = vector.broadcast %jit3A_55 : i32 to vector<256x128xi32>
      %select_n3A_57 = arith.select %gt3A_54, %slice3A_52, %broadcast_in_dim3A_56 : vector<256x128xi1>, vector<256x128xi32>
      %min3A = arith.minsi %select_n3A_51, %select_n3A_57 : vector<256x128xi32>
      %slice3A_58 = vector.extract_strided_slice %or3A {offsets = [0, 256], sizes = [256, 128], strides = [1, 1]} : vector<256x2048xi32> to vector<256x128xi32>
      %gt3A_59 = vector.broadcast %scan3A_46 : vector<256x1xi32> to vector<256x128xi32>
      %gt3A_60 = arith.cmpi sgt, %slice3A_58, %gt3A_59 : vector<256x128xi32>
      %jit3A_61 = arith.constant 2147483647 : i32
      %broadcast_in_dim3A_62 = vector.broadcast %jit3A_61 : i32 to vector<256x128xi32>
      %select_n3A_63 = arith.select %gt3A_60, %slice3A_58, %broadcast_in_dim3A_62 : vector<256x128xi1>, vector<256x128xi32>
      %min3A_64 = arith.minsi %min3A, %select_n3A_63 : vector<256x128xi32>
      %slice3A_65 = vector.extract_strided_slice %or3A {offsets = [0, 384], sizes = [256, 128], strides = [1, 1]} : vector<256x2048xi32> to vector<256x128xi32>
      %gt3A_66 = vector.broadcast %scan3A_46 : vector<256x1xi32> to vector<256x128xi32>
      %gt3A_67 = arith.cmpi sgt, %slice3A_65, %gt3A_66 : vector<256x128xi32>
      %jit3A_68 = arith.constant 2147483647 : i32
      %broadcast_in_dim3A_69 = vector.broadcast %jit3A_68 : i32 to vector<256x128xi32>
      %select_n3A_70 = arith.select %gt3A_67, %slice3A_65, %broadcast_in_dim3A_69 : vector<256x128xi1>, vector<256x128xi32>
      %min3A_71 = arith.minsi %min3A_64, %select_n3A_70 : vector<256x128xi32>
      %slice3A_72 = vector.extract_strided_slice %or3A {offsets = [0, 512], sizes = [256, 128], strides = [1, 1]} : vector<256x2048xi32> to vector<256x128xi32>
      %gt3A_73 = vector.broadcast %scan3A_46 : vector<256x1xi32> to vector<256x128xi32>
      %gt3A_74 = arith.cmpi sgt, %slice3A_72, %gt3A_73 : vector<256x128xi32>
      %jit3A_75 = arith.constant 2147483647 : i32
      %broadcast_in_dim3A_76 = vector.broadcast %jit3A_75 : i32 to vector<256x128xi32>
      %select_n3A_77 = arith.select %gt3A_74, %slice3A_72, %broadcast_in_dim3A_76 : vector<256x128xi1>, vector<256x128xi32>
      %min3A_78 = arith.minsi %min3A_71, %select_n3A_77 : vector<256x128xi32>
      %slice3A_79 = vector.extract_strided_slice %or3A {offsets = [0, 640], sizes = [256, 128], strides = [1, 1]} : vector<256x2048xi32> to vector<256x128xi32>
      %gt3A_80 = vector.broadcast %scan3A_46 : vector<256x1xi32> to vector<256x128xi32>
      %gt3A_81 = arith.cmpi sgt, %slice3A_79, %gt3A_80 : vector<256x128xi32>
      %jit3A_82 = arith.constant 2147483647 : i32
      %broadcast_in_dim3A_83 = vector.broadcast %jit3A_82 : i32 to vector<256x128xi32>
      %select_n3A_84 = arith.select %gt3A_81, %slice3A_79, %broadcast_in_dim3A_83 : vector<256x128xi1>, vector<256x128xi32>
      %min3A_85 = arith.minsi %min3A_78, %select_n3A_84 : vector<256x128xi32>
      %slice3A_86 = vector.extract_strided_slice %or3A {offsets = [0, 768], sizes = [256, 128], strides = [1, 1]} : vector<256x2048xi32> to vector<256x128xi32>
      %gt3A_87 = vector.broadcast %scan3A_46 : vector<256x1xi32> to vector<256x128xi32>
      %gt3A_88 = arith.cmpi sgt, %slice3A_86, %gt3A_87 : vector<256x128xi32>
      %jit3A_89 = arith.constant 2147483647 : i32
      %broadcast_in_dim3A_90 = vector.broadcast %jit3A_89 : i32 to vector<256x128xi32>
      %select_n3A_91 = arith.select %gt3A_88, %slice3A_86, %broadcast_in_dim3A_90 : vector<256x128xi1>, vector<256x128xi32>
      %min3A_92 = arith.minsi %min3A_85, %select_n3A_91 : vector<256x128xi32>
      %slice3A_93 = vector.extract_strided_slice %or3A {offsets = [0, 896], sizes = [256, 128], strides = [1, 1]} : vector<256x2048xi32> to vector<256x128xi32>
      %gt3A_94 = vector.broadcast %scan3A_46 : vector<256x1xi32> to vector<256x128xi32>
      %gt3A_95 = arith.cmpi sgt, %slice3A_93, %gt3A_94 : vector<256x128xi32>
      %jit3A_96 = arith.constant 2147483647 : i32
      %broadcast_in_dim3A_97 = vector.broadcast %jit3A_96 : i32 to vector<256x128xi32>
      %select_n3A_98 = arith.select %gt3A_95, %slice3A_93, %broadcast_in_dim3A_97 : vector<256x128xi1>, vector<256x128xi32>
      %min3A_99 = arith.minsi %min3A_92, %select_n3A_98 : vector<256x128xi32>
      %slice3A_100 = vector.extract_strided_slice %or3A {offsets = [0, 1024], sizes = [256, 128], strides = [1, 1]} : vector<256x2048xi32> to vector<256x128xi32>
      %gt3A_101 = vector.broadcast %scan3A_46 : vector<256x1xi32> to vector<256x128xi32>
      %gt3A_102 = arith.cmpi sgt, %slice3A_100, %gt3A_101 : vector<256x128xi32>
      %jit3A_103 = arith.constant 2147483647 : i32
      %broadcast_in_dim3A_104 = vector.broadcast %jit3A_103 : i32 to vector<256x128xi32>
      %select_n3A_105 = arith.select %gt3A_102, %slice3A_100, %broadcast_in_dim3A_104 : vector<256x128xi1>, vector<256x128xi32>
      %min3A_106 = arith.minsi %min3A_99, %select_n3A_105 : vector<256x128xi32>
      %slice3A_107 = vector.extract_strided_slice %or3A {offsets = [0, 1152], sizes = [256, 128], strides = [1, 1]} : vector<256x2048xi32> to vector<256x128xi32>
      %gt3A_108 = vector.broadcast %scan3A_46 : vector<256x1xi32> to vector<256x128xi32>
      %gt3A_109 = arith.cmpi sgt, %slice3A_107, %gt3A_108 : vector<256x128xi32>
      %jit3A_110 = arith.constant 2147483647 : i32
      %broadcast_in_dim3A_111 = vector.broadcast %jit3A_110 : i32 to vector<256x128xi32>
      %select_n3A_112 = arith.select %gt3A_109, %slice3A_107, %broadcast_in_dim3A_111 : vector<256x128xi1>, vector<256x128xi32>
      %min3A_113 = arith.minsi %min3A_106, %select_n3A_112 : vector<256x128xi32>
      %slice3A_114 = vector.extract_strided_slice %or3A {offsets = [0, 1280], sizes = [256, 128], strides = [1, 1]} : vector<256x2048xi32> to vector<256x128xi32>
      %gt3A_115 = vector.broadcast %scan3A_46 : vector<256x1xi32> to vector<256x128xi32>
      %gt3A_116 = arith.cmpi sgt, %slice3A_114, %gt3A_115 : vector<256x128xi32>
      %jit3A_117 = arith.constant 2147483647 : i32
      %broadcast_in_dim3A_118 = vector.broadcast %jit3A_117 : i32 to vector<256x128xi32>
      %select_n3A_119 = arith.select %gt3A_116, %slice3A_114, %broadcast_in_dim3A_118 : vector<256x128xi1>, vector<256x128xi32>
      %min3A_120 = arith.minsi %min3A_113, %select_n3A_119 : vector<256x128xi32>
      %slice3A_121 = vector.extract_strided_slice %or3A {offsets = [0, 1408], sizes = [256, 128], strides = [1, 1]} : vector<256x2048xi32> to vector<256x128xi32>
      %gt3A_122 = vector.broadcast %scan3A_46 : vector<256x1xi32> to vector<256x128xi32>
      %gt3A_123 = arith.cmpi sgt, %slice3A_121, %gt3A_122 : vector<256x128xi32>
      %jit3A_124 = arith.constant 2147483647 : i32
      %broadcast_in_dim3A_125 = vector.broadcast %jit3A_124 : i32 to vector<256x128xi32>
      %select_n3A_126 = arith.select %gt3A_123, %slice3A_121, %broadcast_in_dim3A_125 : vector<256x128xi1>, vector<256x128xi32>
      %min3A_127 = arith.minsi %min3A_120, %select_n3A_126 : vector<256x128xi32>
      %slice3A_128 = vector.extract_strided_slice %or3A {offsets = [0, 1536], sizes = [256, 128], strides = [1, 1]} : vector<256x2048xi32> to vector<256x128xi32>
      %gt3A_129 = vector.broadcast %scan3A_46 : vector<256x1xi32> to vector<256x128xi32>
      %gt3A_130 = arith.cmpi sgt, %slice3A_128, %gt3A_129 : vector<256x128xi32>
      %jit3A_131 = arith.constant 2147483647 : i32
      %broadcast_in_dim3A_132 = vector.broadcast %jit3A_131 : i32 to vector<256x128xi32>
      %select_n3A_133 = arith.select %gt3A_130, %slice3A_128, %broadcast_in_dim3A_132 : vector<256x128xi1>, vector<256x128xi32>
      %min3A_134 = arith.minsi %min3A_127, %select_n3A_133 : vector<256x128xi32>
      %slice3A_135 = vector.extract_strided_slice %or3A {offsets = [0, 1664], sizes = [256, 128], strides = [1, 1]} : vector<256x2048xi32> to vector<256x128xi32>
      %gt3A_136 = vector.broadcast %scan3A_46 : vector<256x1xi32> to vector<256x128xi32>
      %gt3A_137 = arith.cmpi sgt, %slice3A_135, %gt3A_136 : vector<256x128xi32>
      %jit3A_138 = arith.constant 2147483647 : i32
      %broadcast_in_dim3A_139 = vector.broadcast %jit3A_138 : i32 to vector<256x128xi32>
      %select_n3A_140 = arith.select %gt3A_137, %slice3A_135, %broadcast_in_dim3A_139 : vector<256x128xi1>, vector<256x128xi32>
      %min3A_141 = arith.minsi %min3A_134, %select_n3A_140 : vector<256x128xi32>
      %slice3A_142 = vector.extract_strided_slice %or3A {offsets = [0, 1792], sizes = [256, 128], strides = [1, 1]} : vector<256x2048xi32> to vector<256x128xi32>
      %gt3A_143 = vector.broadcast %scan3A_46 : vector<256x1xi32> to vector<256x128xi32>
      %gt3A_144 = arith.cmpi sgt, %slice3A_142, %gt3A_143 : vector<256x128xi32>
      %jit3A_145 = arith.constant 2147483647 : i32
      %broadcast_in_dim3A_146 = vector.broadcast %jit3A_145 : i32 to vector<256x128xi32>
      %select_n3A_147 = arith.select %gt3A_144, %slice3A_142, %broadcast_in_dim3A_146 : vector<256x128xi1>, vector<256x128xi32>
      %min3A_148 = arith.minsi %min3A_141, %select_n3A_147 : vector<256x128xi32>
      %slice3A_149 = vector.extract_strided_slice %or3A {offsets = [0, 1920], sizes = [256, 128], strides = [1, 1]} : vector<256x2048xi32> to vector<256x128xi32>
      %gt3A_150 = vector.broadcast %scan3A_46 : vector<256x1xi32> to vector<256x128xi32>
      %gt3A_151 = arith.cmpi sgt, %slice3A_149, %gt3A_150 : vector<256x128xi32>
      %jit3A_152 = arith.constant 2147483647 : i32
      %broadcast_in_dim3A_153 = vector.broadcast %jit3A_152 : i32 to vector<256x128xi32>
      %select_n3A_154 = arith.select %gt3A_151, %slice3A_149, %broadcast_in_dim3A_153 : vector<256x128xi1>, vector<256x128xi32>
      %min3A_155 = arith.minsi %min3A_148, %select_n3A_154 : vector<256x128xi32>
      %reduce_min3A = arith.constant dense<2147483647> : vector<256xi32>
      %reduce_min3A_156 = vector.multi_reduction <minsi>, %min3A_155, %reduce_min3A [1] : vector<256x128xi32> to vector<256xi32>
      %broadcast_in_dim3A_157 = vector.shape_cast %reduce_min3A_156 : vector<256xi32> to vector<256x1xi32>
      %iota3A_158 = tpu.iota {dimensions = array<i32: 1>} : vector<256x17xi32>
      %eq3A = vector.broadcast %scan3A_45 : i32 to vector<256x17xi32>
      %eq3A_159 = arith.cmpi eq, %iota3A_158, %eq3A : vector<256x17xi32>
      %and3A_160 = arith.constant 2047 : i32
      %and3A_161 = vector.broadcast %and3A_160 : i32 to vector<256x1xi32>
      %and3A_162 = arith.andi %broadcast_in_dim3A_157, %and3A_161 : vector<256x1xi32>
      %broadcast_in_dim3A_163 = vector.shape_cast %and3A_162 : vector<256x1xi32> to vector<256x1xi32>
      %broadcast_in_dim3A_164 = vector.broadcast %broadcast_in_dim3A_163 : vector<256x1xi32> to vector<256x17xi32>
      %select_n3A_165 = arith.select %eq3A_159, %broadcast_in_dim3A_164, %scan3A_47 : vector<256x17xi1>, vector<256x17xi32>
      scf.yield %broadcast_in_dim3A_157, %select_n3A_165 : vector<256x1xi32>, vector<256x17xi32>
    }
    %scan3A_35 = arith.constant 17 : i32
    %slice3A = vector.extract_strided_slice %scan3A_34#1 {offsets = [0, 1], sizes = [256, 16], strides = [1, 1]} : vector<256x17xi32> to vector<256x16xi32>
    %mul3A_36 = arith.constant 2048 : i32
    %mul3A_37 = arith.muli %arg0, %mul3A_36 : i32
    %add3A_38 = vector.broadcast %mul3A_37 : i32 to vector<256x16xi32>
    %add3A_39 = arith.addi %slice3A, %add3A_38 : vector<256x16xi32>
    %swap3A = arith.constant 0 : index
    %swap3A_40 = arith.constant 0 : index
    %swap3A_41 = arith.constant 0 : index
    %swap3A_42 = vector.load %arg4[%swap3A, %swap3A_40, %swap3A_41] : memref<1x256x16xi32, #tpu.memory_space<vmem>>, vector<1x256x16xi32>
    %swap3A_43 = vector.shape_cast %swap3A_42 : vector<1x256x16xi32> to vector<256x16xi32>
    %swap3A_44 = vector.shape_cast %add3A_39 : vector<256x16xi32> to vector<1x256x16xi32>
    tpu.vector_store %arg4[%swap3A, %swap3A_40, %swap3A_41], %swap3A_44 {strides = array<i32>} : memref<1x256x16xi32, #tpu.memory_space<vmem>>, vector<1x256x16xi32>,
    return
  }
  func.func @transform_0(%arg0: i32, %arg1: i32) -> (i32, i32, i32) {
    %c0_i32 = arith.constant 0 : i32
    %c0_i32_0 = arith.constant 0 : i32
    return %arg0, %arg1, %c0_i32 : i32, i32, i32
  }
  func.func @transform_1(%arg0: i32, %arg1: i32) -> (i32, i32, i32) {
    %c0_i32 = arith.constant 0 : i32
    %c0_i32_0 = arith.constant 0 : i32
    %c0_i32_1 = arith.constant 0 : i32
    return %arg0, %c0_i32, %c0_i32_0 : i32, i32, i32
  }
  func.func @transform_2(%arg0: i32, %arg1: i32) -> (i32, i32, i32) {
    %c0_i32 = arith.constant 0 : i32
    %c0_i32_0 = arith.constant 0 : i32
    return %arg0, %arg1, %c0_i32 : i32, i32, i32
  }
}

module attributes {stable_mosaic.version = 14 : i64} {
  func.func @_sc_stats_kernel(%arg0: i32, %arg1: memref<4096x64xf32, #tpu.memory_space<vmem>>, %arg2: memref<1x64xf32, #tpu.memory_space<vmem>>, %arg3: memref<1x64xf32, #tpu.memory_space<vmem>>) attributes {dimension_semantics = [#tpu.dimension_semantics<arbitrary>], iteration_bounds = array<i64: 8>, scalar_prefetch = 0 : i64, scratch_operands = 0 : i64, tpu.core_type = #tpu.core_type<tc>, window_params = [{transform_indices = @transform_0, window_bounds = array<i64: 4096, 64>}, {pipeline_mode = #tpu.pipeline_mode<synchronous>, transform_indices = @transform_1, window_bounds = array<i64: 1, 64>}, {pipeline_mode = #tpu.pipeline_mode<synchronous>, transform_indices = @transform_2, window_bounds = array<i64: 1, 64>}]} {
    %get3A = arith.constant 0 : index
    %get3A_0 = arith.constant 0 : index
    %get3A_1 = vector.load %arg1[%get3A, %get3A_0] : memref<4096x64xf32, #tpu.memory_space<vmem>>, vector<4096x64xf32>
    %reduce_sum3A = arith.constant dense<0.000000e+00> : vector<64xf32>
    %reduce_sum3A_2 = vector.multi_reduction <add>, %get3A_1, %reduce_sum3A [0] : vector<4096x64xf32> to vector<64xf32>
    %broadcast_in_dim3A = vector.shape_cast %reduce_sum3A_2 : vector<64xf32> to vector<1x64xf32>
    %mul3A = arith.mulf %get3A_1, %get3A_1 : vector<4096x64xf32>
    %reduce_sum3A_3 = arith.constant dense<0.000000e+00> : vector<64xf32>
    %reduce_sum3A_4 = vector.multi_reduction <add>, %mul3A, %reduce_sum3A_3 [0] : vector<4096x64xf32> to vector<64xf32>
    %broadcast_in_dim3A_5 = vector.shape_cast %reduce_sum3A_4 : vector<64xf32> to vector<1x64xf32>
    %eq3A = arith.constant 0 : i32
    %eq3A_6 = arith.cmpi eq, %arg0, %eq3A : i32
    %convert_element_type3A = arith.extui %eq3A_6 : i1 to i32
    %cond3A = arith.constant 0 : i32
    %cond3A_7 = arith.cmpi ne, %convert_element_type3A, %cond3A : i32
    scf.if %cond3A_7 {
      %swap3A = arith.constant 0 : index
      %swap3A_12 = arith.constant 0 : index
      %swap3A_13 = vector.load %arg2[%swap3A, %swap3A_12] : memref<1x64xf32, #tpu.memory_space<vmem>>, vector<1x64xf32>
      tpu.vector_store %arg2[%swap3A, %swap3A_12], %broadcast_in_dim3A {strides = array<i32>} : memref<1x64xf32, #tpu.memory_space<vmem>>, vector<1x64xf32>,
      %swap3A_14 = arith.constant 0 : index
      %swap3A_15 = arith.constant 0 : index
      %swap3A_16 = vector.load %arg3[%swap3A_14, %swap3A_15] : memref<1x64xf32, #tpu.memory_space<vmem>>, vector<1x64xf32>
      tpu.vector_store %arg3[%swap3A_14, %swap3A_15], %broadcast_in_dim3A_5 {strides = array<i32>} : memref<1x64xf32, #tpu.memory_space<vmem>>, vector<1x64xf32>,
    } else {
    }
    %gt3A = arith.constant 0 : i32
    %gt3A_8 = arith.cmpi sgt, %arg0, %gt3A : i32
    %convert_element_type3A_9 = arith.extui %gt3A_8 : i1 to i32
    %cond3A_10 = arith.constant 0 : i32
    %cond3A_11 = arith.cmpi ne, %convert_element_type3A_9, %cond3A_10 : i32
    scf.if %cond3A_11 {
      %get3A_12 = arith.constant 0 : index
      %get3A_13 = arith.constant 0 : index
      %get3A_14 = vector.load %arg2[%get3A_12, %get3A_13] : memref<1x64xf32, #tpu.memory_space<vmem>>, vector<1x64xf32>
      %add3A = arith.addf %get3A_14, %broadcast_in_dim3A : vector<1x64xf32>
      %swap3A = arith.constant 0 : index
      %swap3A_15 = arith.constant 0 : index
      %swap3A_16 = vector.load %arg2[%swap3A, %swap3A_15] : memref<1x64xf32, #tpu.memory_space<vmem>>, vector<1x64xf32>
      tpu.vector_store %arg2[%swap3A, %swap3A_15], %add3A {strides = array<i32>} : memref<1x64xf32, #tpu.memory_space<vmem>>, vector<1x64xf32>,
      %get3A_17 = arith.constant 0 : index
      %get3A_18 = arith.constant 0 : index
      %get3A_19 = vector.load %arg3[%get3A_17, %get3A_18] : memref<1x64xf32, #tpu.memory_space<vmem>>, vector<1x64xf32>
      %add3A_20 = arith.addf %get3A_19, %broadcast_in_dim3A_5 : vector<1x64xf32>
      %swap3A_21 = arith.constant 0 : index
      %swap3A_22 = arith.constant 0 : index
      %swap3A_23 = vector.load %arg3[%swap3A_21, %swap3A_22] : memref<1x64xf32, #tpu.memory_space<vmem>>, vector<1x64xf32>
      tpu.vector_store %arg3[%swap3A_21, %swap3A_22], %add3A_20 {strides = array<i32>} : memref<1x64xf32, #tpu.memory_space<vmem>>, vector<1x64xf32>,
    } else {
    }
    return
  }
  func.func @transform_0(%arg0: i32) -> (i32, i32) {
    %c0_i32 = arith.constant 0 : i32
    %c0_i32_0 = arith.constant 0 : i32
    return %arg0, %c0_i32 : i32, i32
  }
  func.func @transform_1(%arg0: i32) -> (i32, i32) {
    %c0_i32 = arith.constant 0 : i32
    %c0_i32_0 = arith.constant 0 : i32
    %c0_i32_1 = arith.constant 0 : i32
    return %c0_i32, %c0_i32_0 : i32, i32
  }
  func.func @transform_2(%arg0: i32) -> (i32, i32) {
    %c0_i32 = arith.constant 0 : i32
    %c0_i32_0 = arith.constant 0 : i32
    %c0_i32_1 = arith.constant 0 : i32
    return %c0_i32, %c0_i32_0 : i32, i32
  }
}

module attributes {stable_mosaic.version = 14 : i64} {
  func.func @_stats_kernel(%arg0: i32, %arg1: memref<8192x64xf32, #tpu.memory_space<vmem>>, %arg2: memref<512x64xf32, #tpu.memory_space<vmem>>, %arg3: memref<1x64xf32, #tpu.memory_space<vmem>>, %arg4: memref<1x64xf32, #tpu.memory_space<vmem>>) attributes {dimension_semantics = [#tpu.dimension_semantics<arbitrary>], iteration_bounds = array<i64: 64>, scalar_prefetch = 0 : i64, scratch_operands = 0 : i64, tpu.core_type = #tpu.core_type<tc>, window_params = [{transform_indices = @transform_0, window_bounds = array<i64: 8192, 64>}, {transform_indices = @transform_1, window_bounds = array<i64: 512, 64>}, {pipeline_mode = #tpu.pipeline_mode<synchronous>, transform_indices = @transform_2, window_bounds = array<i64: 1, 64>}, {pipeline_mode = #tpu.pipeline_mode<synchronous>, transform_indices = @transform_3, window_bounds = array<i64: 1, 64>}]} {
    %get3A = arith.constant 0 : index
    %get3A_0 = arith.constant 0 : index
    %get3A_1 = vector.load %arg2[%get3A, %get3A_0] : memref<512x64xf32, #tpu.memory_space<vmem>>, vector<512x64xf32>
    %broadcast_in_dim3A = vector.shape_cast %get3A_1 : vector<512x64xf32> to vector<512x1x64xf32>
    %broadcast_in_dim3A_2 = vector.shape_cast %broadcast_in_dim3A : vector<512x1x64xf32> to vector<512x1x64xf32>
    %broadcast_in_dim3A_3 = vector.broadcast %broadcast_in_dim3A_2 : vector<512x1x64xf32> to vector<512x16x64xf32>
    %reshape3A = vector.shape_cast %broadcast_in_dim3A_3 : vector<512x16x64xf32> to vector<8192x64xf32>
    %get3A_4 = arith.constant 0 : index
    %get3A_5 = arith.constant 0 : index
    %get3A_6 = vector.load %arg1[%get3A_4, %get3A_5] : memref<8192x64xf32, #tpu.memory_space<vmem>>, vector<8192x64xf32>
    %sub3A = arith.subf %reshape3A, %get3A_6 : vector<8192x64xf32>
    %reduce_sum3A = arith.constant dense<0.000000e+00> : vector<64xf32>
    %reduce_sum3A_7 = vector.multi_reduction <add>, %sub3A, %reduce_sum3A [0] : vector<8192x64xf32> to vector<64xf32>
    %broadcast_in_dim3A_8 = vector.shape_cast %reduce_sum3A_7 : vector<64xf32> to vector<1x64xf32>
    %mul3A = arith.mulf %sub3A, %sub3A : vector<8192x64xf32>
    %reduce_sum3A_9 = arith.constant dense<0.000000e+00> : vector<64xf32>
    %reduce_sum3A_10 = vector.multi_reduction <add>, %mul3A, %reduce_sum3A_9 [0] : vector<8192x64xf32> to vector<64xf32>
    %broadcast_in_dim3A_11 = vector.shape_cast %reduce_sum3A_10 : vector<64xf32> to vector<1x64xf32>
    %eq3A = arith.constant 0 : i32
    %eq3A_12 = arith.cmpi eq, %arg0, %eq3A : i32
    %convert_element_type3A = arith.extui %eq3A_12 : i1 to i32
    %cond3A = arith.constant 0 : i32
    %cond3A_13 = arith.cmpi ne, %convert_element_type3A, %cond3A : i32
    scf.if %cond3A_13 {
      %swap3A = arith.constant 0 : index
      %swap3A_18 = arith.constant 0 : index
      %swap3A_19 = vector.load %arg3[%swap3A, %swap3A_18] : memref<1x64xf32, #tpu.memory_space<vmem>>, vector<1x64xf32>
      tpu.vector_store %arg3[%swap3A, %swap3A_18], %broadcast_in_dim3A_8 {strides = array<i32>} : memref<1x64xf32, #tpu.memory_space<vmem>>, vector<1x64xf32>,
      %swap3A_20 = arith.constant 0 : index
      %swap3A_21 = arith.constant 0 : index
      %swap3A_22 = vector.load %arg4[%swap3A_20, %swap3A_21] : memref<1x64xf32, #tpu.memory_space<vmem>>, vector<1x64xf32>
      tpu.vector_store %arg4[%swap3A_20, %swap3A_21], %broadcast_in_dim3A_11 {strides = array<i32>} : memref<1x64xf32, #tpu.memory_space<vmem>>, vector<1x64xf32>,
    } else {
    }
    %gt3A = arith.constant 0 : i32
    %gt3A_14 = arith.cmpi sgt, %arg0, %gt3A : i32
    %convert_element_type3A_15 = arith.extui %gt3A_14 : i1 to i32
    %cond3A_16 = arith.constant 0 : i32
    %cond3A_17 = arith.cmpi ne, %convert_element_type3A_15, %cond3A_16 : i32
    scf.if %cond3A_17 {
      %get3A_18 = arith.constant 0 : index
      %get3A_19 = arith.constant 0 : index
      %get3A_20 = vector.load %arg3[%get3A_18, %get3A_19] : memref<1x64xf32, #tpu.memory_space<vmem>>, vector<1x64xf32>
      %add3A = arith.addf %get3A_20, %broadcast_in_dim3A_8 : vector<1x64xf32>
      %swap3A = arith.constant 0 : index
      %swap3A_21 = arith.constant 0 : index
      %swap3A_22 = vector.load %arg3[%swap3A, %swap3A_21] : memref<1x64xf32, #tpu.memory_space<vmem>>, vector<1x64xf32>
      tpu.vector_store %arg3[%swap3A, %swap3A_21], %add3A {strides = array<i32>} : memref<1x64xf32, #tpu.memory_space<vmem>>, vector<1x64xf32>,
      %get3A_23 = arith.constant 0 : index
      %get3A_24 = arith.constant 0 : index
      %get3A_25 = vector.load %arg4[%get3A_23, %get3A_24] : memref<1x64xf32, #tpu.memory_space<vmem>>, vector<1x64xf32>
      %add3A_26 = arith.addf %get3A_25, %broadcast_in_dim3A_11 : vector<1x64xf32>
      %swap3A_27 = arith.constant 0 : index
      %swap3A_28 = arith.constant 0 : index
      %swap3A_29 = vector.load %arg4[%swap3A_27, %swap3A_28] : memref<1x64xf32, #tpu.memory_space<vmem>>, vector<1x64xf32>
      tpu.vector_store %arg4[%swap3A_27, %swap3A_28], %add3A_26 {strides = array<i32>} : memref<1x64xf32, #tpu.memory_space<vmem>>, vector<1x64xf32>,
    } else {
    }
    return
  }
  func.func @transform_0(%arg0: i32) -> (i32, i32) {
    %c0_i32 = arith.constant 0 : i32
    %c0_i32_0 = arith.constant 0 : i32
    return %arg0, %c0_i32 : i32, i32
  }
  func.func @transform_1(%arg0: i32) -> (i32, i32) {
    %c0_i32 = arith.constant 0 : i32
    %c0_i32_0 = arith.constant 0 : i32
    return %arg0, %c0_i32 : i32, i32
  }
  func.func @transform_2(%arg0: i32) -> (i32, i32) {
    %c0_i32 = arith.constant 0 : i32
    %c0_i32_0 = arith.constant 0 : i32
    %c0_i32_1 = arith.constant 0 : i32
    return %c0_i32, %c0_i32_0 : i32, i32
  }
  func.func @transform_3(%arg0: i32) -> (i32, i32) {
    %c0_i32 = arith.constant 0 : i32
    %c0_i32_0 = arith.constant 0 : i32
    %c0_i32_1 = arith.constant 0 : i32
    return %c0_i32, %c0_i32_0 : i32, i32
  }
}

module attributes {stable_mosaic.version = 14 : i64} {
  func.func @_mid_kernel(%arg0: i32, %arg1: memref<8192x64xf32, #tpu.memory_space<vmem>>, %arg2: memref<512x64xf32, #tpu.memory_space<vmem>>, %arg3: memref<1x64xf32, #tpu.memory_space<vmem>>, %arg4: memref<1x64xf32, #tpu.memory_space<vmem>>, %arg5: memref<64x64xf32, #tpu.memory_space<vmem>>, %arg6: memref<1x64xf32, #tpu.memory_space<vmem>>, %arg7: memref<1x64xf32, #tpu.memory_space<vmem>>) attributes {dimension_semantics = [#tpu.dimension_semantics<arbitrary>], iteration_bounds = array<i64: 64>, scalar_prefetch = 0 : i64, scratch_operands = 0 : i64, tpu.core_type = #tpu.core_type<tc>, window_params = [{transform_indices = @transform_0, window_bounds = array<i64: 8192, 64>}, {transform_indices = @transform_1, window_bounds = array<i64: 512, 64>}, {pipeline_mode = #tpu.pipeline_mode<synchronous>, transform_indices = @transform_2, window_bounds = array<i64: 1, 64>}, {pipeline_mode = #tpu.pipeline_mode<synchronous>, transform_indices = @transform_3, window_bounds = array<i64: 1, 64>}, {pipeline_mode = #tpu.pipeline_mode<synchronous>, transform_indices = @transform_4, window_bounds = array<i64: 64, 64>}, {pipeline_mode = #tpu.pipeline_mode<synchronous>, transform_indices = @transform_5, window_bounds = array<i64: 1, 64>}, {pipeline_mode = #tpu.pipeline_mode<synchronous>, transform_indices = @transform_6, window_bounds = array<i64: 1, 64>}]} {
    %get3A = arith.constant 0 : index
    %get3A_0 = arith.constant 0 : index
    %get3A_1 = vector.load %arg2[%get3A, %get3A_0] : memref<512x64xf32, #tpu.memory_space<vmem>>, vector<512x64xf32>
    %broadcast_in_dim3A = vector.shape_cast %get3A_1 : vector<512x64xf32> to vector<512x1x64xf32>
    %broadcast_in_dim3A_2 = vector.shape_cast %broadcast_in_dim3A : vector<512x1x64xf32> to vector<512x1x64xf32>
    %broadcast_in_dim3A_3 = vector.broadcast %broadcast_in_dim3A_2 : vector<512x1x64xf32> to vector<512x16x64xf32>
    %reshape3A = vector.shape_cast %broadcast_in_dim3A_3 : vector<512x16x64xf32> to vector<8192x64xf32>
    %get3A_4 = arith.constant 0 : index
    %get3A_5 = arith.constant 0 : index
    %get3A_6 = vector.load %arg1[%get3A_4, %get3A_5] : memref<8192x64xf32, #tpu.memory_space<vmem>>, vector<8192x64xf32>
    %sub3A = arith.subf %reshape3A, %get3A_6 : vector<8192x64xf32>
    %get3A_7 = arith.constant 0 : index
    %get3A_8 = arith.constant 0 : index
    %get3A_9 = vector.load %arg3[%get3A_7, %get3A_8] : memref<1x64xf32, #tpu.memory_space<vmem>>, vector<1x64xf32>
    %mul3A = vector.broadcast %get3A_9 : vector<1x64xf32> to vector<8192x64xf32>
    %mul3A_10 = arith.mulf %sub3A, %mul3A : vector<8192x64xf32>
    %get3A_11 = arith.constant 0 : index
    %get3A_12 = arith.constant 0 : index
    %get3A_13 = vector.load %arg4[%get3A_11, %get3A_12] : memref<1x64xf32, #tpu.memory_space<vmem>>, vector<1x64xf32>
    %add3A = vector.broadcast %get3A_13 : vector<1x64xf32> to vector<8192x64xf32>
    %add3A_14 = arith.addf %mul3A_10, %add3A : vector<8192x64xf32>
    %max3A = arith.constant 0.000000e+00 : f32
    %max3A_15 = vector.broadcast %max3A : f32 to vector<8192x64xf32>
    %max3A_16 = arith.maximumf %add3A_14, %max3A_15 : vector<8192x64xf32>
    %get3A_17 = arith.constant 0 : index
    %get3A_18 = arith.constant 0 : index
    %get3A_19 = vector.load %arg5[%get3A_17, %get3A_18] : memref<64x64xf32, #tpu.memory_space<vmem>>, vector<64x64xf32>
    %dot_general3A = arith.constant dense<0.000000e+00> : vector<8192x64xf32>
    %dot_general3A_20 = tpu.matmul %max3A_16, %get3A_19, %dot_general3A {dimension_numbers = #tpu.dot_dimension_numbers<[1], [0], [0], [1], [0, 0, 1, 1], [], []>, transpose_lhs_hint = false} : vector<8192x64xf32>, vector<64x64xf32>, vector<8192x64xf32> -> vector<8192x64xf32>
    %reduce_sum3A = arith.constant dense<0.000000e+00> : vector<64xf32>
    %reduce_sum3A_21 = vector.multi_reduction <add>, %dot_general3A_20, %reduce_sum3A [0] : vector<8192x64xf32> to vector<64xf32>
    %broadcast_in_dim3A_22 = vector.shape_cast %reduce_sum3A_21 : vector<64xf32> to vector<1x64xf32>
    %mul3A_23 = arith.mulf %dot_general3A_20, %dot_general3A_20 : vector<8192x64xf32>
    %reduce_sum3A_24 = arith.constant dense<0.000000e+00> : vector<64xf32>
    %reduce_sum3A_25 = vector.multi_reduction <add>, %mul3A_23, %reduce_sum3A_24 [0] : vector<8192x64xf32> to vector<64xf32>
    %broadcast_in_dim3A_26 = vector.shape_cast %reduce_sum3A_25 : vector<64xf32> to vector<1x64xf32>
    %eq3A = arith.constant 0 : i32
    %eq3A_27 = arith.cmpi eq, %arg0, %eq3A : i32
    %convert_element_type3A = arith.extui %eq3A_27 : i1 to i32
    %cond3A = arith.constant 0 : i32
    %cond3A_28 = arith.cmpi ne, %convert_element_type3A, %cond3A : i32
    scf.if %cond3A_28 {
      %swap3A = arith.constant 0 : index
      %swap3A_33 = arith.constant 0 : index
      %swap3A_34 = vector.load %arg6[%swap3A, %swap3A_33] : memref<1x64xf32, #tpu.memory_space<vmem>>, vector<1x64xf32>
      tpu.vector_store %arg6[%swap3A, %swap3A_33], %broadcast_in_dim3A_22 {strides = array<i32>} : memref<1x64xf32, #tpu.memory_space<vmem>>, vector<1x64xf32>,
      %swap3A_35 = arith.constant 0 : index
      %swap3A_36 = arith.constant 0 : index
      %swap3A_37 = vector.load %arg7[%swap3A_35, %swap3A_36] : memref<1x64xf32, #tpu.memory_space<vmem>>, vector<1x64xf32>
      tpu.vector_store %arg7[%swap3A_35, %swap3A_36], %broadcast_in_dim3A_26 {strides = array<i32>} : memref<1x64xf32, #tpu.memory_space<vmem>>, vector<1x64xf32>,
    } else {
    }
    %gt3A = arith.constant 0 : i32
    %gt3A_29 = arith.cmpi sgt, %arg0, %gt3A : i32
    %convert_element_type3A_30 = arith.extui %gt3A_29 : i1 to i32
    %cond3A_31 = arith.constant 0 : i32
    %cond3A_32 = arith.cmpi ne, %convert_element_type3A_30, %cond3A_31 : i32
    scf.if %cond3A_32 {
      %get3A_33 = arith.constant 0 : index
      %get3A_34 = arith.constant 0 : index
      %get3A_35 = vector.load %arg6[%get3A_33, %get3A_34] : memref<1x64xf32, #tpu.memory_space<vmem>>, vector<1x64xf32>
      %add3A_36 = arith.addf %get3A_35, %broadcast_in_dim3A_22 : vector<1x64xf32>
      %swap3A = arith.constant 0 : index
      %swap3A_37 = arith.constant 0 : index
      %swap3A_38 = vector.load %arg6[%swap3A, %swap3A_37] : memref<1x64xf32, #tpu.memory_space<vmem>>, vector<1x64xf32>
      tpu.vector_store %arg6[%swap3A, %swap3A_37], %add3A_36 {strides = array<i32>} : memref<1x64xf32, #tpu.memory_space<vmem>>, vector<1x64xf32>,
      %get3A_39 = arith.constant 0 : index
      %get3A_40 = arith.constant 0 : index
      %get3A_41 = vector.load %arg7[%get3A_39, %get3A_40] : memref<1x64xf32, #tpu.memory_space<vmem>>, vector<1x64xf32>
      %add3A_42 = arith.addf %get3A_41, %broadcast_in_dim3A_26 : vector<1x64xf32>
      %swap3A_43 = arith.constant 0 : index
      %swap3A_44 = arith.constant 0 : index
      %swap3A_45 = vector.load %arg7[%swap3A_43, %swap3A_44] : memref<1x64xf32, #tpu.memory_space<vmem>>, vector<1x64xf32>
      tpu.vector_store %arg7[%swap3A_43, %swap3A_44], %add3A_42 {strides = array<i32>} : memref<1x64xf32, #tpu.memory_space<vmem>>, vector<1x64xf32>,
    } else {
    }
    return
  }
  func.func @transform_0(%arg0: i32) -> (i32, i32) {
    %c0_i32 = arith.constant 0 : i32
    %c0_i32_0 = arith.constant 0 : i32
    return %arg0, %c0_i32 : i32, i32
  }
  func.func @transform_1(%arg0: i32) -> (i32, i32) {
    %c0_i32 = arith.constant 0 : i32
    %c0_i32_0 = arith.constant 0 : i32
    return %arg0, %c0_i32 : i32, i32
  }
  func.func @transform_2(%arg0: i32) -> (i32, i32) {
    %c0_i32 = arith.constant 0 : i32
    %c0_i32_0 = arith.constant 0 : i32
    %c0_i32_1 = arith.constant 0 : i32
    return %c0_i32, %c0_i32_0 : i32, i32
  }
  func.func @transform_3(%arg0: i32) -> (i32, i32) {
    %c0_i32 = arith.constant 0 : i32
    %c0_i32_0 = arith.constant 0 : i32
    %c0_i32_1 = arith.constant 0 : i32
    return %c0_i32, %c0_i32_0 : i32, i32
  }
  func.func @transform_4(%arg0: i32) -> (i32, i32) {
    %c0_i32 = arith.constant 0 : i32
    %c0_i32_0 = arith.constant 0 : i32
    %c0_i32_1 = arith.constant 0 : i32
    return %c0_i32, %c0_i32_0 : i32, i32
  }
  func.func @transform_5(%arg0: i32) -> (i32, i32) {
    %c0_i32 = arith.constant 0 : i32
    %c0_i32_0 = arith.constant 0 : i32
    %c0_i32_1 = arith.constant 0 : i32
    return %c0_i32, %c0_i32_0 : i32, i32
  }
  func.func @transform_6(%arg0: i32) -> (i32, i32) {
    %c0_i32 = arith.constant 0 : i32
    %c0_i32_0 = arith.constant 0 : i32
    %c0_i32_1 = arith.constant 0 : i32
    return %c0_i32, %c0_i32_0 : i32, i32
  }
}

module attributes {stable_mosaic.version = 14 : i64} {
  func.func @_final_kernel(%arg0: i32, %arg1: memref<8192x64xf32, #tpu.memory_space<vmem>>, %arg2: memref<512x64xf32, #tpu.memory_space<vmem>>, %arg3: memref<1x64xf32, #tpu.memory_space<vmem>>, %arg4: memref<1x64xf32, #tpu.memory_space<vmem>>, %arg5: memref<64x64xf32, #tpu.memory_space<vmem>>, %arg6: memref<1x64xf32, #tpu.memory_space<vmem>>, %arg7: memref<1x64xf32, #tpu.memory_space<vmem>>, %arg8: memref<512x64xf32, #tpu.memory_space<vmem>>, %arg9: memref<512x64xf32, #tpu.memory_space<vmem>>) attributes {dimension_semantics = [#tpu.dimension_semantics<arbitrary>], iteration_bounds = array<i64: 64>, scalar_prefetch = 0 : i64, scratch_operands = 0 : i64, tpu.core_type = #tpu.core_type<tc>, window_params = [{transform_indices = @transform_0, window_bounds = array<i64: 8192, 64>}, {transform_indices = @transform_1, window_bounds = array<i64: 512, 64>}, {pipeline_mode = #tpu.pipeline_mode<synchronous>, transform_indices = @transform_2, window_bounds = array<i64: 1, 64>}, {pipeline_mode = #tpu.pipeline_mode<synchronous>, transform_indices = @transform_3, window_bounds = array<i64: 1, 64>}, {pipeline_mode = #tpu.pipeline_mode<synchronous>, transform_indices = @transform_4, window_bounds = array<i64: 64, 64>}, {pipeline_mode = #tpu.pipeline_mode<synchronous>, transform_indices = @transform_5, window_bounds = array<i64: 1, 64>}, {pipeline_mode = #tpu.pipeline_mode<synchronous>, transform_indices = @transform_6, window_bounds = array<i64: 1, 64>}, {transform_indices = @transform_7, window_bounds = array<i64: 512, 64>}, {transform_indices = @transform_8, window_bounds = array<i64: 512, 64>}]} {
    %get3A = arith.constant 0 : index
    %get3A_0 = arith.constant 0 : index
    %get3A_1 = vector.load %arg2[%get3A, %get3A_0] : memref<512x64xf32, #tpu.memory_space<vmem>>, vector<512x64xf32>
    %broadcast_in_dim3A = vector.shape_cast %get3A_1 : vector<512x64xf32> to vector<512x1x64xf32>
    %broadcast_in_dim3A_2 = vector.shape_cast %broadcast_in_dim3A : vector<512x1x64xf32> to vector<512x1x64xf32>
    %broadcast_in_dim3A_3 = vector.broadcast %broadcast_in_dim3A_2 : vector<512x1x64xf32> to vector<512x16x64xf32>
    %reshape3A = vector.shape_cast %broadcast_in_dim3A_3 : vector<512x16x64xf32> to vector<8192x64xf32>
    %get3A_4 = arith.constant 0 : index
    %get3A_5 = arith.constant 0 : index
    %get3A_6 = vector.load %arg1[%get3A_4, %get3A_5] : memref<8192x64xf32, #tpu.memory_space<vmem>>, vector<8192x64xf32>
    %sub3A = arith.subf %reshape3A, %get3A_6 : vector<8192x64xf32>
    %get3A_7 = arith.constant 0 : index
    %get3A_8 = arith.constant 0 : index
    %get3A_9 = vector.load %arg3[%get3A_7, %get3A_8] : memref<1x64xf32, #tpu.memory_space<vmem>>, vector<1x64xf32>
    %mul3A = vector.broadcast %get3A_9 : vector<1x64xf32> to vector<8192x64xf32>
    %mul3A_10 = arith.mulf %sub3A, %mul3A : vector<8192x64xf32>
    %get3A_11 = arith.constant 0 : index
    %get3A_12 = arith.constant 0 : index
    %get3A_13 = vector.load %arg4[%get3A_11, %get3A_12] : memref<1x64xf32, #tpu.memory_space<vmem>>, vector<1x64xf32>
    %add3A = vector.broadcast %get3A_13 : vector<1x64xf32> to vector<8192x64xf32>
    %add3A_14 = arith.addf %mul3A_10, %add3A : vector<8192x64xf32>
    %max3A = arith.constant 0.000000e+00 : f32
    %max3A_15 = vector.broadcast %max3A : f32 to vector<8192x64xf32>
    %max3A_16 = arith.maximumf %add3A_14, %max3A_15 : vector<8192x64xf32>
    %get3A_17 = arith.constant 0 : index
    %get3A_18 = arith.constant 0 : index
    %get3A_19 = vector.load %arg5[%get3A_17, %get3A_18] : memref<64x64xf32, #tpu.memory_space<vmem>>, vector<64x64xf32>
    %dot_general3A = arith.constant dense<0.000000e+00> : vector<8192x64xf32>
    %dot_general3A_20 = tpu.matmul %max3A_16, %get3A_19, %dot_general3A {dimension_numbers = #tpu.dot_dimension_numbers<[1], [0], [0], [1], [0, 0, 1, 1], [], []>, transpose_lhs_hint = false} : vector<8192x64xf32>, vector<64x64xf32>, vector<8192x64xf32> -> vector<8192x64xf32>
    %get3A_21 = arith.constant 0 : index
    %get3A_22 = arith.constant 0 : index
    %get3A_23 = vector.load %arg6[%get3A_21, %get3A_22] : memref<1x64xf32, #tpu.memory_space<vmem>>, vector<1x64xf32>
    %mul3A_24 = vector.broadcast %get3A_23 : vector<1x64xf32> to vector<8192x64xf32>
    %mul3A_25 = arith.mulf %dot_general3A_20, %mul3A_24 : vector<8192x64xf32>
    %get3A_26 = arith.constant 0 : index
    %get3A_27 = arith.constant 0 : index
    %get3A_28 = vector.load %arg7[%get3A_26, %get3A_27] : memref<1x64xf32, #tpu.memory_space<vmem>>, vector<1x64xf32>
    %add3A_29 = vector.broadcast %get3A_28 : vector<1x64xf32> to vector<8192x64xf32>
    %add3A_30 = arith.addf %mul3A_25, %add3A_29 : vector<8192x64xf32>
    %max3A_31 = arith.constant 0.000000e+00 : f32
    %max3A_32 = vector.broadcast %max3A_31 : f32 to vector<8192x64xf32>
    %max3A_33 = arith.maximumf %add3A_30, %max3A_32 : vector<8192x64xf32>
    %reshape3A_34 = vector.shape_cast %max3A_33 : vector<8192x64xf32> to vector<512x16x64xf32>
    %reduce_sum3A = arith.constant dense<0.000000e+00> : vector<512x64xf32>
    %reduce_sum3A_35 = vector.multi_reduction <add>, %reshape3A_34, %reduce_sum3A [1] : vector<512x16x64xf32> to vector<512x64xf32>
    %div3A = arith.constant 1.600000e+01 : f32
    %div3A_36 = vector.broadcast %div3A : f32 to vector<512x64xf32>
    %div3A_37 = arith.divf %reduce_sum3A_35, %div3A_36 : vector<512x64xf32>
    %get3A_38 = arith.constant 0 : index
    %get3A_39 = arith.constant 0 : index
    %get3A_40 = vector.load %arg8[%get3A_38, %get3A_39] : memref<512x64xf32, #tpu.memory_space<vmem>>, vector<512x64xf32>
    %add3A_41 = arith.addf %div3A_37, %get3A_40 : vector<512x64xf32>
    %max3A_42 = arith.constant 0.000000e+00 : f32
    %max3A_43 = vector.broadcast %max3A_42 : f32 to vector<512x64xf32>
    %max3A_44 = arith.maximumf %add3A_41, %max3A_43 : vector<512x64xf32>
    %swap3A = arith.constant 0 : index
    %swap3A_45 = arith.constant 0 : index
    %swap3A_46 = vector.load %arg9[%swap3A, %swap3A_45] : memref<512x64xf32, #tpu.memory_space<vmem>>, vector<512x64xf32>
    tpu.vector_store %arg9[%swap3A, %swap3A_45], %max3A_44 {strides = array<i32>} : memref<512x64xf32, #tpu.memory_space<vmem>>, vector<512x64xf32>,
    return
  }
  func.func @transform_0(%arg0: i32) -> (i32, i32) {
    %c0_i32 = arith.constant 0 : i32
    %c0_i32_0 = arith.constant 0 : i32
    return %arg0, %c0_i32 : i32, i32
  }
  func.func @transform_1(%arg0: i32) -> (i32, i32) {
    %c0_i32 = arith.constant 0 : i32
    %c0_i32_0 = arith.constant 0 : i32
    return %arg0, %c0_i32 : i32, i32
  }
  func.func @transform_2(%arg0: i32) -> (i32, i32) {
    %c0_i32 = arith.constant 0 : i32
    %c0_i32_0 = arith.constant 0 : i32
    %c0_i32_1 = arith.constant 0 : i32
    return %c0_i32, %c0_i32_0 : i32, i32
  }
  func.func @transform_3(%arg0: i32) -> (i32, i32) {
    %c0_i32 = arith.constant 0 : i32
    %c0_i32_0 = arith.constant 0 : i32
    %c0_i32_1 = arith.constant 0 : i32
    return %c0_i32, %c0_i32_0 : i32, i32
  }
  func.func @transform_4(%arg0: i32) -> (i32, i32) {
    %c0_i32 = arith.constant 0 : i32
    %c0_i32_0 = arith.constant 0 : i32
    %c0_i32_1 = arith.constant 0 : i32
    return %c0_i32, %c0_i32_0 : i32, i32
  }
  func.func @transform_5(%arg0: i32) -> (i32, i32) {
    %c0_i32 = arith.constant 0 : i32
    %c0_i32_0 = arith.constant 0 : i32
    %c0_i32_1 = arith.constant 0 : i32
    return %c0_i32, %c0_i32_0 : i32, i32
  }
  func.func @transform_6(%arg0: i32) -> (i32, i32) {
    %c0_i32 = arith.constant 0 : i32
    %c0_i32_0 = arith.constant 0 : i32
    %c0_i32_1 = arith.constant 0 : i32
    return %c0_i32, %c0_i32_0 : i32, i32
  }
  func.func @transform_7(%arg0: i32) -> (i32, i32) {
    %c0_i32 = arith.constant 0 : i32
    %c0_i32_0 = arith.constant 0 : i32
    return %arg0, %c0_i32 : i32, i32
  }
  func.func @transform_8(%arg0: i32) -> (i32, i32) {
    %c0_i32 = arith.constant 0 : i32
    %c0_i32_0 = arith.constant 0 : i32
    return %arg0, %c0_i32 : i32, i32
  }
}

</mosaic_0001>

<sc_bundles>
// kernel: kernel.9.cloned.1.call-start
scs
__scs_entry_jumppad:
0x0: {  	(pc) =	sbr.rel $0x88, $3  }
0x1: {  	(tag) =	ssettag $0x0;
	lr =	simm.s32 $0x1  }
0x2: {  	[smem:$0x3F95] =	sst lr;
	_ =	strace $0xD0000000  }
0x3: {  	_ = 	snop  }
0x4: {  	_ = 	snop  }
0x5: {  	_ = 	snop  }
0x6: {  	_ = 	snop  }
0x7: {  	_ = 	snop  }
__scs_overlays_trampoline_lowered:
0x8: {  	[smem:$0x3FA4] =	sst s0  }
0x9: {  	[smem:$0x3FA5] =	sst s1  }
0xa: {  	[smem:$0x3FA6] =	sst s2  }
0xb: {  	[smem:$0x3FA7] =	sst s3  }
0xc: {  	[smem:$0x3FA8] =	sst s4  }
0xd: {  	[smem:$0x3FA9] =	sst s5  }
0xe: {  	[smem:$0x3FAA] =	sst s6  }
0xf: {  	[smem:$0x3FAB] =	sst s7  }
0x10: {  	[smem:$0x3FAC] =	sst s8  }
0x11: {  	[smem:$0x3FAD] =	sst s9;
	s0 =	simm.s32 @!p0 $0x0  }
0x12: {  	s1 =	sld [smem:$0x3F93];
	s0 =	simm.s32 @p0 $0x1  }
0x13: {  	[smem:$0x3FAE] =	sst s0;
	s0 =	simm.s32 @!p1 $0x0  }
0x14: {  	s2 =	sld [smem:$0x3F92];
	s0 =	simm.s32 @p1 $0x1  }
0x15: {  	[smem:$0x3FAF] =	sst s0;
	s0 =	simm.s32 @!p2 $0x0  }
0x16: {  	s3 =	sld [smem:$0x3FDB];
	s0 =	simm.s32 @p2 $0x1  }
0x17: {  	s4 =	simm.s32 $0x1BF5;
	[smem:$0x3FB1] =	sst s0  }
0x18: {  	s0 =	sld [smem:$0x3F94];
	_ =	swait.ge [sflag:s4], $0x0  }
0x19: {  	s7 =	sld [smem:$0x3F95]  }
0x1a: {  	s8 =	sadd.s32 $0xFFFFE003, lr  }
0x1b: {  	s9 =	sadd.s32 $0xFFFFFEF7, lr;
	s5 =	simm.s32 $0xFFFFFFFF;
	p2 =	slt.u32 s8, $0xFFFFF086  }
0x1c: {  	p1 =	slt.u32 s9, $0xF7A;
	s5 =	simm.s32 @!p2 $0x0  }
0x1d: {  	s5 =	simm.s32 @p1 $0x1;
	p0 =	seq.s32 s7, s2  }
0x1e: {  	s7 =	smul.u32 @!p0 $0xF7A, s2;
	p2 =	seq.s32 @!p0 s5, $0x0  }
0x1f: {  	s9 =	smul.u32 $0xF7A, s1;
	s8 =	simm.s32 @!p0 $0x1BF5;
	p2 =	por !p2, p0  }
0x20: {  	[sflag:s8] =	ssyncset.s32 @!p0 $0xFFFFF086;
	s6 =	sadd.s32 @!p0 s3, s7;
	s7 =	simm.s32 @!p0 $0x108  }
0x21: {  	s3 =	sadd.s32 s3, s9;
	s6 =	sadd.s32 @!p0 $0x88, s6;
	s7 =	simm.s32 @p2 $0x1082  }
0x22: {  	[simem:s7], [sflag:s8] =	dma.local @!p0 [hbm:s6], $0xF7A  }
0x23: {  	s9 =	sor.u32 $0xD0000000, s2;
	s6 =	simm.s32 $0x108;
	_ =	swait.ge @!p0 [sflag:s8], $0x0  }
0x24: {  	s3 =	sadd.s32 $0x88, s3;
	s6 =	simm.s32 @!p1 $0x1082;
	[sflag:s4] =	ssyncset.s32 $0xFFFFF086  }
0x25: {  	[simem:s6], [sflag:s4] =	dma.local [hbm:s3], $0xF7A  }
0x26: {  	[smem:$0x3F95] =	sst s1;
	(tag) =	ssettag s2;
	_ =	strace s9  }
0x27: {  	s1 =	sld [smem:$0x3FA5]  }
0x28: {  	s2 =	sld [smem:$0x3FA6]  }
0x29: {  	s4 =	sld [smem:$0x3FA8]  }
0x2a: {  	p0 =	seq.s32 s5, $0x0;
	s5 =	sld [smem:$0x3FA9]  }
0x2b: {  	s6 =	sld [smem:$0x3FAA]  }
0x2c: {  	s7 =	sld [smem:$0x3FAB]  }
0x2d: {  	s3 =	simm.s32 $0x108;
	s8 =	sld [smem:$0x3FAC]  }
0x2e: {  	s3 =	simm.s32 @!p0 $0x1082;
	s9 =	sld [smem:$0x3FAD]  }
0x2f: {  	lr =	sadd.s32 s0, s3;
	s0 =	sld [smem:$0x3FA4]  }
0x30: {  	s3 =	sld [smem:$0x3FA7]  }
0x31: {  	[smem:$0x3FB0] =	sst s10  }
0x32: {  	s10 =	sld [smem:$0x3FAE];
	_ =	sdelay $0x3  }
0x33: {  	p0 =	seq.s32 s10, $0x1;
	s10 =	sld [smem:$0x3FB0];
	_ =	sdelay $0x3  }
0x34: {  	[smem:$0x3FB0] =	sst s10  }
0x35: {  	s10 =	sld [smem:$0x3FAF];
	_ =	sdelay $0x3  }
0x36: {  	p1 =	seq.s32 s10, $0x1;
	s10 =	sld [smem:$0x3FB0];
	_ =	sdelay $0x3  }
0x37: {  	[smem:$0x3FB0] =	sst s10  }
0x38: {  	s10 =	sld [smem:$0x3FB1]  }
0x39: {  	_ = 	snop;
	(pc) =	sbr.ind lr, $3  }
0x3a: {  	_ = 	snop  }
0x3b: {  	_ = 	snop  }
0x3c: {  	p2 =	seq.s32 s10, $0x1;
	s10 =	sld [smem:$0x3FB0]  }
0x3d: {  	_ =	shalt  }
0x3e: {  	_ =	shalt  }
0x3f: {  	_ =	shalt  }
0x40: {  	_ =	shalt  }
0x41: {  	_ =	shalt  }
0x42: {  	_ =	shalt  }
0x43: {  	_ =	shalt  }
0x44: {  	_ =	shalt  }
0x45: {  	_ =	shalt  }
0x46: {  	_ =	shalt  }
0x47: {  	_ =	shalt  }
0x48: {  	_ =	shalt  }
0x49: {  	_ =	shalt  }
0x4a: {  	_ =	shalt  }
0x4b: {  	_ =	shalt  }
0x4c: {  	_ =	shalt  }
0x4d: {  	_ =	shalt  }
0x4e: {  	_ =	shalt  }
0x4f: {  	_ =	shalt  }
0x50: {  	_ =	shalt  }
0x51: {  	_ =	shalt  }
0x52: {  	_ =	shalt  }
0x53: {  	_ =	shalt  }
0x54: {  	_ =	shalt  }
0x55: {  	_ =	shalt  }
0x56: {  	_ =	shalt  }
0x57: {  	_ =	shalt  }
0x58: {  	_ =	shalt  }
0x59: {  	_ =	shalt  }
0x5a: {  	_ =	shalt  }
0x5b: {  	_ =	shalt  }
0x5c: {  	_ =	shalt  }
0x5d: {  	_ =	shalt  }
0x5e: {  	_ =	shalt  }
0x5f: {  	_ =	shalt  }
0x60: {  	_ =	shalt  }
0x61: {  	_ =	shalt  }
0x62: {  	_ =	shalt  }
0x63: {  	_ =	shalt  }
0x64: {  	_ =	shalt  }
0x65: {  	_ =	shalt  }
0x66: {  	_ =	shalt  }
0x67: {  	_ =	shalt  }
0x68: {  	_ =	shalt  }
0x69: {  	_ =	shalt  }
0x6a: {  	_ =	shalt  }
0x6b: {  	_ =	shalt  }
0x6c: {  	_ =	shalt  }
0x6d: {  	_ =	shalt  }
0x6e: {  	_ =	shalt  }
0x6f: {  	_ =	shalt  }
0x70: {  	_ =	shalt  }
0x71: {  	_ =	shalt  }
0x72: {  	_ =	shalt  }
0x73: {  	_ =	shalt  }
0x74: {  	_ =	shalt  }
0x75: {  	_ =	shalt  }
0x76: {  	_ =	shalt  }
0x77: {  	_ =	shalt  }
0x78: {  	_ =	shalt  }
0x79: {  	_ =	shalt  }
0x7a: {  	_ =	shalt  }
0x7b: {  	_ =	shalt  }
0x7c: {  	_ =	shalt  }
0x7d: {  	_ =	shalt  }
0x7e: {  	_ =	shalt  }
0x7f: {  	_ =	shalt  }
0x80: {  	_ =	shalt  }
0x81: {  	_ =	shalt  }
0x82: {  	_ =	shalt  }
0x83: {  	_ =	shalt  }
0x84: {  	_ =	shalt  }
0x85: {  	_ =	shalt  }
0x86: {  	_ =	shalt  }
0x87: {  	_ =	shalt  }
.Lfunc_end0:
.L_simem_size_0:
called_computation_lowered:
.L_overlay_start_0:
0x88: {  	s2 =	sld [smem:$0x3FD9]  }
0x89: {  	s3 =	sld [smem:$0x3FFE];
	_ =	sdelay $0x1  }
0x8a: {  	s1 =	srdreg.scid  }
0x8b: {  	s0 =	sand.u32 $0x1, s1  }
0x8c: {  	s17 =	sshll.u32 s0, $0xA;
	s2 =	sadd.s32 s3, s2  }
0x8d: {  	s2 =	sadd.s32 s2, s17  }
0x8e: {  	[smem:$0x3FBC] =	sst s2  }
0x8f: {  	_ = 	snop  }
0x90: {  	s2 =	sld [smem:$0x3FD0];
	(tm) =	ssettm $0x1  }
0x91: {  	s18 =	sld [smem:$0x3FFB];
	_ =	sdelay $0x3  }
0x92: {  	_ =	strace s18  }
0x93: {  	s3 =	sld [smem:$0x3FFC];
	_ =	sdelay $0x3  }
0x94: {  	_ =	strace s3  }
0x95: {  	s3 =	sld [smem:$0x3FFD];
	_ =	sdelay $0x3  }
0x96: {  	_ =	strace s3  }
0x97: {  	_ =	strace $0x8FFFFFFF  }
0x98: {  	s19 =	sld [smem:$0x3FDB];
	_ =	sdelay $0x1  }
0x99: {  	s4 =	simm.s32 $_scs_section_size  }
0x9a: {  	s5 =	simm.s32 $_size__tile_overlayer_lowered;
	s6 =	simm.s32 $_tile_overlayer_lowered  }
0x9b: {  	s22 =	simm.s32 $0x1BFF;
	s21 =	sshll.u32 s6, $0x1;
	s3 =	sadd.s32 s4, s19  }
0x9c: {  	s7 =	simm.s32 $0x0;
	s20 =	sshll.u32 s5, $0x1;
	s5 =	sadd.s32 s21, s3  }
0x9d: {  	[timem:s7], [sflag:s22] =	dma.local [hbm:s5], s20  }
0x9e: {  	_ =	swait.ge [sflag:s22], s20  }
0x9f: {  	s4 =	ssub.s32 $0x0, s20;
	[sflag:s22] =	ssyncset.done $0x0  }
0xa0: {  	[sflag:s22] =	ssyncadd.s32 s4;
	_ =	sdelay $0x1  }
0xa1: {  	s23 =	simm.s32 $0x1B8B  }
0xa2: {  	_ =	swait.ge [sflag:s23], $0x1  }
0xa3: {  	[sflag:s23] =	ssyncset.done $0x0  }
0xa4: {  	s25 =	simm.s32 $0x1B8E;
	s24 =	sld [smem:$0x3FFE];
	[sflag:s23] =	ssyncadd.s32 $0xFFFFFFFF  }
0xa5: {  	s26 =	simm.s32 $execute0_lowered;
	[smem:$0x3FD2] =	sst s25  }
0xa6: {  	s5 =	sshll.u32 s26, $0x1;
	_ =	strace $0x80000046;
	[dreg:$0x1] =	wrdreg $0xFFFFFFFF  }
0xa7: {  	s28 =	simm.s32 $_size_execute0_lowered;
	s3 =	sadd.s32 s3, s5;
	[dreg:$0x0] =	wrdreg $0x0  }
0xa8: {  	s5 =	sshll.u32 s28, $0x1;
	[dreg:$0x2] =	wrdreg s3  }
0xa9: {  	[dreg:$0x3] =	wrdreg s5  }
0xaa: {  	[dreg:$0x4] =	wrdreg $0xC0  }
0xab: {  	_ =	task [dreg:s7], $0x5FFFF  }
0xac: {  	[dreg:$0x1] =	wrdreg $0xFFFFFFFF  }
0xad: {  	[dreg:$0x0] =	wrdreg $0x60  }
0xae: {  	[dreg:$0x2] =	wrdreg s2  }
0xaf: {  	[dreg:$0x3] =	wrdreg s24  }
0xb0: {  	[dreg:$0x4] =	wrdreg $0x9  }
0xb1: {  	_ =	task.clear_ibuf [dreg:s7], $0x5FFFF;
	_ =	strace $0x90000046  }
0xb2: {  	s29 =	simm.s32 $0x9;
	_ =	strace $0x80000048  }
0xb3: {  	_ =	swait.ge [sflag:s29], $0x1  }
0xb4: {  	[sflag:s29] =	ssyncadd.s32 $0xFFFFFFFF  }
0xb5: {  	_ =	strace $0x90000048  }
0xb6: {  	_ =	sfence  }
0xb7: {  	s30 =	sld [smem:$0x0];
	_ =	sdelay $0x2  }
0xb8: {  	s31 =	sshll.u32 s1, $0xD;
	s1 =	sshrl.u32 s1, $0x2  }
0xb9: {  	s3 =	sand.u32 $0x4000, s31;
	s1 =	sadd.s32 s1, s30  }
0xba: {  	s0 =	sor.u32 s3, s0;
	s1 =	sshll.u32 s1, $0x11  }
0xbb: {  	s0 =	sor.u32 s1, s0  }
0xbc: {  	s0 =	sadd.s32 $0x8F2B, s0  }
0xbd: {  	[sflag:s0] =	ssyncadd.remote.s32 $0x1  }
0xbe: {  	_ =	sfence.sel $0xFFFF  }
0xbf: {  	[dreg:$0x0] =	wrdreg $0xFFFFFFFF;
	(pc) =	sbr.abs _section_cstart, $3  }
0xc0: {  	[dreg:$0x1] =	wrdreg $0xFFFFFFFF  }
0xc1: {  	_ =	task.clear_ibuf [dreg:s7], $0x2FFFF;
	_ =	strace $0x9FFFFFFF  }
0xc2: {  	(tm) =	ssettm $0x7FFFFFFF  }
0xc3: {  	_ =	shalt  }
tec
execute0_lowered:
.L_overlay_start_1:
0x0: {  	(tag) =	ssettag $0x1  }
0x1: {  	s1 =	rddreg [dreg:$0x0]  }
0x2: {  	s4 =	rddreg [dreg:$0x1]  }
0x3: {  	s0 =	rddreg [dreg:$0x2];
	s5 =	srdreg.scid  }
0x4: {  	s3 =	simm.s32 $0x0;
	s2 =	stileid.u32;
	s10 =	simm.s32 $0x0  }
0x5: {  	s5 =	sand.u32 $0x1, s5;
	[smem:$0x7FF] =	sst s3;
	s6 =	sshll.u32 s2, $0xF  }
0x6: {  	s8 =	sshll.u32 s2, $0x12;
	s7 =	sshll.u32 s5, $0xE;
	_ =	strace $0x80000047  }
0x7: {  	s31 =	ssub.s32 $0x2, s5;
	s8 =	sadd.s32 s8, s4;
	s5 =	sshll.u32 s5, $0x11  }
0x8: {  	s6 =	sor.u32 s7, s6;
	s9 =	sshrl.u32 s31, $0x1;
	s5 =	sadd.s32 s5, s8  }
0x9: {  	s8 =	simm.s32 $0x400;
	s6 =	sshrl.u32 s6, $0x3;
	s7 =	ssub.s32 s31, s9  }
0xa: {  	s5 =	sadd.s32 $0x204E00, s5;
	s9 =	simm.s32 $0x1;
	s6 =	sadd.s32 s6, s4  }
0xb: {  	s4 =	smax.u32 s7, $0x1;
	s7 =	simm.s32 $0x2;
	s6 =	sadd.s32 $0x4E00, s6  }
.LBB2_1:
0xc: {  	s11 =	sadd.s32 $0x0, s6  }
0xd: {  	[tilespmem:s3], [sflag:$0x2] =	stream.linear.gather [hbm4b:s11+s3], $0x400, $0x38;
	[tilespmem:$0x10400] =	vst v63  }
0xe: {  	_ =	swait.ge [sflag:s7], $0x400  }
0xf: {  	[sflag:s7] =	ssyncset.done $0x0  }
0x10: {  	[sflag:s7] =	ssyncadd.s32 $0xFFFFFC00  }
0x11: {  	[tilespmem:s8], [sflag:$0x1] =	stream.indirect.gather [hbm4b:s1+s8], $0x40, s3, s8, $0xb8;
	[tilespmem:$0x10400] =	vst v63  }
0x12: {  	_ =	swait.ge [sflag:s9], $0x10000  }
0x13: {  	[sflag:s9] =	ssyncset.done $0x0  }
0x14: {  	[sflag:s9] =	ssyncadd.s32 $0xFFFF0000  }
0x15: {  	[hbm4b:s5+s3] =	stream.linear.scatter [tilespmem:s8], [sflag:$0x2], $0x10000, $0x38;
	[tilespmem:$0x10400] =	vst v63  }
0x16: {  	s12 =	simm.s32 $0x80;
	_ =	swait.ge [sflag:s7], $0x10000  }
0x17: {  	s13 =	simm.s32 $0x100;
	s11 =	sadd.s32 $0x2000, s5;
	[sflag:s7] =	ssyncset.done $0x0  }
.LBB2_2:
0x18: {  	s14 =	sadd.s32 s12, s6  }
0x19: {  	[sflag:s7] =	ssyncadd.s32 $0xFFFF0000;
	s12 =	smov.u32 s13;
	s15 =	sadd.s32 $0x80, s13  }
0x1a: {  	[tilespmem:s3], [sflag:$0x2] =	stream.linear.gather [hbm4b:s14+s3], $0x400, $0x38;
	[tilespmem:$0x10400] =	vst v63  }
0x1b: {  	p0 =	sne.s32 s13, $0x780;
	_ =	swait.ge [sflag:s7], $0x400  }
0x1c: {  	[sflag:s7] =	ssyncset.done $0x0  }
0x1d: {  	[sflag:s7] =	ssyncadd.s32 $0xFFFFFC00  }
0x1e: {  	[tilespmem:s8], [sflag:$0x1] =	stream.indirect.gather [hbm4b:s1+s8], $0x40, s3, s8, $0xb8;
	[tilespmem:$0x10400] =	vst v63  }
0x1f: {  	_ =	swait.ge [sflag:s9], $0x10000  }
.Ltmp0:
0x20: {  	[sflag:s9] =	ssyncset.done $0x0;
	(pc) =	sbr.rel @p0 .LBB2_2-.Ltmp0, $4  }
0x21: {  	[sflag:s9] =	ssyncadd.s32 $0xFFFF0000  }
0x22: {  	[hbm4b:s11+s3] =	stream.linear.scatter [tilespmem:s8], [sflag:$0x2], $0x10000, $0x38;
	[tilespmem:$0x10400] =	vst v63  }
0x23: {  	_ =	swait.ge [sflag:s7], $0x10000  }
0x24: {  	s13 =	smov.u32 s15;
	s11 =	sadd.s32 $0x2000, s11;
	[sflag:s7] =	ssyncset.done $0x0  }
0x25: {  	s12 =	sadd.s32 s12, s6;
	[sflag:s7] =	ssyncadd.s32 $0xFFFF0000  }
0x26: {  	[tilespmem:s3], [sflag:$0x2] =	stream.linear.gather [hbm4b:s12+s3], $0x400, $0x38;
	[tilespmem:$0x10400] =	vst v63  }
0x27: {  	_ =	swait.ge [sflag:s7], $0x400  }
0x28: {  	[sflag:s7] =	ssyncset.done $0x0  }
0x29: {  	[sflag:s7] =	ssyncadd.s32 $0xFFFFFC00  }
0x2a: {  	[tilespmem:s8], [sflag:$0x1] =	stream.indirect.gather [hbm4b:s1+s8], $0x40, s3, s8, $0xb8;
	[tilespmem:$0x10400] =	vst v63  }
0x2b: {  	s10 =	sadd.s32 $0x1, s10;
	_ =	swait.ge [sflag:s9], $0x10000  }
0x2c: {  	p0 =	sne.s32 s10, s4;
	[sflag:s9] =	ssyncset.done $0x0  }
.Ltmp1:
0x2d: {  	[sflag:s9] =	ssyncadd.s32 $0xFFFF0000;
	(pc) =	sbr.rel @p0 .LBB2_1-.Ltmp1, $4  }
0x2e: {  	[hbm4b:s11+s3] =	stream.linear.scatter [tilespmem:s8], [sflag:$0x2], $0x10000, $0x38;
	[tilespmem:$0x10400] =	vst v63  }
0x2f: {  	_ =	swait.ge [sflag:s7], $0x10000  }
0x30: {  	[sflag:s7] =	ssyncset.done $0x0  }
0x31: {  	[sflag:s7] =	ssyncadd.s32 $0xFFFF0000  }
0x32: {  	_ =	sfence.sel $0x180000  }
0x33: {  	[bflag:$0x0] =	sbarrier.arrive $0xFFFF  }
0x34: {  	p0 =	sne.s32 s2, $0x0;
	_ =	strace $0x90000047  }
0x35: {  	s0 =	sadd.s32 @!p0 $0x100000, s0;
	[bflag:$0x2] =	sbarrier.arrive $0xFFFF  }
0x36: {  	[sflag:s0] =	ssyncadd.tile.s32 @!p0 $0x1;
	_ =	shalt  }
.Lfunc_end2:
_tile_overlayer_lowered:
.L_overlay_start_2:
0x37: {  	(tag) =	ssettag $0x2  }
0x38: {  	s0 =	rddreg [dreg:$0x0];
	s2 =	stileid.u32  }
0x39: {  	s1 =	rddreg [dreg:$0x1];
	p0 =	sne.s32 s2, $0x0  }
0x3a: {  	s3 =	rddreg [dreg:$0x2];
	[bflag:$0x3] =	sbarrier.arrive $0xFFFF;
	s2 =	simm.s32 @!p0 $0x1C02  }
0x3b: {  	[timem:s3], [sflag:s2] =	dma.local @!p0 [hbm:s0], s1  }
0x3c: {  	s0 =	simm.s32 @!p0 $0x2  }
0x3d: {  	_ =	swait.ge @!p0 [sflag:s0], s1  }
0x3e: {  	s1 =	ssub.s32 @!p0 $0x0, s1;
	[sflag:s0] =	ssyncset.done @!p0 $0x0  }
0x3f: {  	[sflag:s0] =	ssyncadd.s32 @!p0 s1  }
0x40: {  	[bflag:$0x3] =	sbarrier.arrive $0xFFFF  }
0x41: {  	_ =	shalt  }

</sc_bundles>
